<compile_context>
chip_gen: v7x
topology: tpu7x:2x2x1
jax: 0.10.2.dev20260603
libtpu: 0.0.44.dev20260713+nightly
codegen_flags: <defaults>
</compile_context>

<pallas_src>
import functools

import jax
import jax.numpy as jnp
from jax import lax
from jax.experimental import pallas as pl
from jax.experimental.pallas import tpu as pltpu
from jax.experimental.pallas import tpu_sc as plsc

NUM_E = 8192
DIM = 32
ROWS = 64 * 1024
BLK = 512
NBLK = ROWS // BLK
LOSS_SCALE = 2.0 / (ROWS * DIM)


def _dist_argmin_body(x_ref, e_ref, idx_ref, loss_ref):
    x = x_ref[...]
    e = e_ref[...]
    esq = jnp.sum(e * e, axis=0, keepdims=True)
    xsq = jnp.sum(x * x, axis=1, keepdims=True)
    xb = x.astype(jnp.bfloat16)
    conv = jnp.dot(xb, e, preferred_element_type=jnp.float32)
    scores = (xsq + esq) - 2.0 * conv
    m = jnp.min(scores, axis=1, keepdims=True)
    col = lax.broadcasted_iota(jnp.int32, scores.shape, 1)
    idx = jnp.min(jnp.where(scores == m, col, NUM_E), axis=1)
    idx_ref[0, 0, :] = idx

    @pl.when(pl.program_id(0) == 0)
    def _init():
        loss_ref[0, 0] = 0.0

    loss_ref[0, 0] += jnp.sum(m) * LOSS_SCALE


def _dist_argmin(x2d, embeddings):
    return pl.pallas_call(
        _dist_argmin_body,
        grid=(NBLK,),
        in_specs=[
            pl.BlockSpec((BLK, DIM), lambda i: (i, 0)),
            pl.BlockSpec((DIM, NUM_E), lambda i: (0, 0)),
        ],
        out_specs=[
            pl.BlockSpec((1, 1, BLK), lambda i: (i, 0, 0)),
            pl.BlockSpec((1, 1), lambda i: (0, 0), memory_space=pltpu.SMEM),
        ],
        out_shape=[
            jax.ShapeDtypeStruct((NBLK, 1, BLK), jnp.int32),
            jax.ShapeDtypeStruct((1, 1), jnp.float32),
        ],
    )(x2d, embeddings)


def _make_sc_gather(n_workers, b_per_w):
    mesh = plsc.VectorSubcoreMesh(core_axis_name="c", subcore_axis_name="s")

    n_chunks = b_per_w // 128

    @functools.partial(
        pl.kernel,
        mesh=mesh,
        compiler_params=pltpu.CompilerParams(use_tc_tiling_on_sc=False),
        out_type=jax.ShapeDtypeStruct((ROWS, DIM), jnp.float32),
        scratch_types=[
            pltpu.VMEM((n_chunks, 128), jnp.int32),
            pltpu.VMEM((b_per_w, DIM), jnp.float32),
            pltpu.SemaphoreType.DMA,
        ],
    )
    def _sc_gather_body(table_hbm, idx_hbm, out_hbm, idx_v, rows_v, sem):
        n_cores = n_workers // 16
        wid = lax.axis_index("s") * n_cores + lax.axis_index("c")
        base = wid * b_per_w
        pltpu.sync_copy(idx_hbm.at[pl.ds(wid * n_chunks, n_chunks)], idx_v)
        copies = [
            pltpu.async_copy(
                table_hbm.at[idx_v.at[j]],
                rows_v.at[pl.ds(j * 128, 128), :],
                sem,
            )
            for j in range(n_chunks)
        ]
        for c in copies:
            c.wait()
        pltpu.sync_copy(rows_v, out_hbm.at[pl.ds(base, b_per_w)])

    return _sc_gather_body


def kernel(x, embeddings):
    x2d = x.reshape(ROWS, DIM)
    idx3, loss = _dist_argmin(x2d, embeddings)
    idx2d = idx3.reshape(ROWS // 128, 128)
    table = embeddings.T
    info = plsc.get_sparse_core_info()
    n_workers = info.num_cores * info.num_subcores
    gather = _make_sc_gather(n_workers, ROWS // n_workers)
    quantized = gather(table, idx2d)
    return quantized.reshape(x.shape), loss[0, 0]

# --- scband reference (transcript-rebuilt; emitter-appended) ---
"""Pipeline reference for scband-vector-quantiser-72327249264798 (READ-ONLY COPY).

The authoritative reference and input builder live on the scoring server;
editing this copy changes nothing except your own understanding.
"""

import jax, jax.numpy as jnp
import numpy as np

NUM_EMBEDDINGS = 8192
EMBEDDING_DIM = 32
COMMITMENT_COST = 1.0


def setup_inputs(seed: int = 0) -> dict:
    key = jax.random.key(seed)
    k1, k2 = jax.random.split(key)
    x = jax.random.normal(k1, (64, 1024, EMBEDDING_DIM), dtype=jnp.float32)
    # tf.random_uniform_initializer default range is [-0.05, 0.05]
    embeddings = jax.random.uniform(k2, (EMBEDDING_DIM, NUM_EMBEDDINGS), dtype=jnp.float32, minval=-0.05, maxval=0.05)
    return {"x": x, "embeddings": embeddings}


def reference(x, embeddings):
    input_shape = x.shape
    flattened = x.reshape(-1, EMBEDDING_DIM)
    # get_code_indices: squared L2 distances to every codebook column
    distances = (
        jnp.sum(flattened ** 2, axis=1, keepdims=True)
        + jnp.sum(embeddings ** 2, axis=0)
        - 2.0 * jnp.matmul(flattened, embeddings)
    )
    encoding_indices = jnp.argmin(distances, axis=1)
    # one_hot @ embeddings^T is exactly a row-gather from embeddings^T
    quantized = jnp.take(embeddings.T, encoding_indices, axis=0)
    unflattened = quantized.reshape(input_shape)
    commitment_loss = COMMITMENT_COST * jnp.mean((jax.lax.stop_gradient(unflattened) - x) ** 2)
    codebook_loss = jnp.mean((unflattened - jax.lax.stop_gradient(x)) ** 2)
    total_loss = commitment_loss + codebook_loss  # the layer's add_loss term
    out = x + jax.lax.stop_gradient(unflattened - x)
    return out, total_loss

if __name__ == "__main__":
    import jax
    _d = setup_inputs()
    print(jax.jit(kernel)(*tuple(_d.values())))

</pallas_src>

<mosaic_0001>
#map = affine_map<(d0, d1) -> (0, 0)>
module attributes {stable_mosaic.version = 14 : i64} {
  func.func @_sc_gather_body(%arg0: i32, %arg1: i32, %arg2: memref<8192x32xf32, #tpu.memory_space<hbm>>, %arg3: memref<512x128xi32, #tpu.memory_space<hbm>>, %arg4: memref<65536x32xf32, #tpu.memory_space<hbm>>, %arg5: memref<16x128xi32, #tpu.memory_space<vmem>>, %arg6: memref<2048x32xf32, #tpu.memory_space<vmem>>, %arg7: memref<!tpu.dma_semaphore, #tpu.memory_space<semaphore_mem>>) attributes {dimension_semantics = [#tpu.dimension_semantics<core_parallel>, #tpu.dimension_semantics<subcore_parallel>], iteration_bounds = array<i64: 2, 16>, scalar_prefetch = 0 : i64, scratch_operands = 3 : i64, tpu.core_type = #tpu.core_type<sc_vector_subcore>, window_params = [{transform_indices = #map}, {transform_indices = #map}, {transform_indices = #map}]} {
    %mul3A = arith.constant 2 : i32
    %mul3A_0 = arith.muli %arg1, %mul3A : i32
    %add3A = arith.addi %mul3A_0, %arg0 : i32
    %mul3A_1 = arith.constant 2048 : i32
    %mul3A_2 = arith.muli %add3A, %mul3A_1 : i32
    %mul3A_3 = arith.constant 16 : i32
    %mul3A_4 = arith.muli %add3A, %mul3A_3 : i32
    "tpu.region"() ({
      %run_scoped3A = tpu.sem_alloc : memref<!tpu.dma_semaphore, #tpu.memory_space<semaphore_mem>>
      %dma_start3A_323 = arith.constant 0 : i32
      %dma_start3A_324 = tpu.memref_slice %arg3[%mul3A_4, %dma_start3A_323] : memref<512x128xi32, #tpu.memory_space<hbm>> -> memref<16x128xi32, #tpu.memory_space<hbm>>
      %dma_start3A_325 = arith.constant 0 : i32
      %dma_start3A_326 = tpu.memref_slice %arg3[%mul3A_4, %dma_start3A_325] : memref<512x128xi32, #tpu.memory_space<hbm>> -> memref<16x128xi32, #tpu.memory_space<hbm>>
      tpu.enqueue_dma source(%dma_start3A_326 : memref<16x128xi32, #tpu.memory_space<hbm>>) target(%arg5 : memref<16x128xi32, #tpu.memory_space<vmem>>) target_semaphore(%run_scoped3A : memref<!tpu.dma_semaphore, #tpu.memory_space<semaphore_mem>>)
      %dma_wait3A_327 = arith.constant 0 : i32
      %dma_wait3A_328 = tpu.memref_slice %arg3[%mul3A_4, %dma_wait3A_327] : memref<512x128xi32, #tpu.memory_space<hbm>> -> memref<16x128xi32, #tpu.memory_space<hbm>>
      %dma_wait3A_329 = arith.constant 0 : i32
      %dma_wait3A_330 = tpu.memref_slice %arg3[%mul3A_4, %dma_wait3A_329] : memref<512x128xi32, #tpu.memory_space<hbm>> -> memref<16x128xi32, #tpu.memory_space<hbm>>
      tpu.wait_dma2 semaphore(%run_scoped3A : memref<!tpu.dma_semaphore, #tpu.memory_space<semaphore_mem>>) src(%dma_wait3A_330 : memref<16x128xi32, #tpu.memory_space<hbm>>) dst(%arg5 : memref<16x128xi32, #tpu.memory_space<vmem>>)
      tpu.yield
    }) : () -> ()
    %dma_start3A = arith.constant 0 : i32
    %dma_start3A_5 = arith.constant 0 : i32
    %dma_start3A_6 = arith.constant 0 : i32
    %dma_start3A_7 = tpu.memref_slice %arg6[%dma_start3A_5, %dma_start3A_6] : memref<2048x32xf32, #tpu.memory_space<vmem>> -> memref<128x32xf32, #tpu.memory_space<vmem>>
    %dma_start3A_8 = arith.constant 0 : i32
    %dma_start3A_9 = tpu.memref_slice %arg5[%dma_start3A, %dma_start3A_8] : memref<16x128xi32, #tpu.memory_space<vmem>> -> memref<1x128xi32, #tpu.memory_space<vmem>>
    %dma_start3A_10 = tpu.memref_squeeze %dma_start3A_9 : memref<1x128xi32, #tpu.memory_space<vmem>> -> memref<128xi32, #tpu.memory_space<vmem>>
    %dma_start3A_11 = arith.constant 0 : i32
    %dma_start3A_12 = arith.constant 0 : i32
    %dma_start3A_13 = tpu.memref_slice %arg2[%dma_start3A_11, %dma_start3A_12] : memref<8192x32xf32, #tpu.memory_space<hbm>> -> memref<8192x32xf32, #tpu.memory_space<hbm>>
    tpu.enqueue_indirect_dma source(%dma_start3A_13 : memref<8192x32xf32, #tpu.memory_space<hbm>>) target(%dma_start3A_7 : memref<128x32xf32, #tpu.memory_space<vmem>>) offsets(%dma_start3A_10 : memref<128xi32, #tpu.memory_space<vmem>>) semaphore(%arg7 : memref<!tpu.dma_semaphore, #tpu.memory_space<semaphore_mem>>)
    %dma_start3A_14 = arith.constant 1 : i32
    %dma_start3A_15 = arith.constant 128 : i32
    %dma_start3A_16 = arith.constant 0 : i32
    %dma_start3A_17 = tpu.memref_slice %arg6[%dma_start3A_15, %dma_start3A_16] : memref<2048x32xf32, #tpu.memory_space<vmem>> -> memref<128x32xf32, #tpu.memory_space<vmem>>
    %dma_start3A_18 = arith.constant 0 : i32
    %dma_start3A_19 = tpu.memref_slice %arg5[%dma_start3A_14, %dma_start3A_18] : memref<16x128xi32, #tpu.memory_space<vmem>> -> memref<1x128xi32, #tpu.memory_space<vmem>>
    %dma_start3A_20 = tpu.memref_squeeze %dma_start3A_19 : memref<1x128xi32, #tpu.memory_space<vmem>> -> memref<128xi32, #tpu.memory_space<vmem>>
    %dma_start3A_21 = arith.constant 0 : i32
    %dma_start3A_22 = arith.constant 0 : i32
    %dma_start3A_23 = tpu.memref_slice %arg2[%dma_start3A_21, %dma_start3A_22] : memref<8192x32xf32, #tpu.memory_space<hbm>> -> memref<8192x32xf32, #tpu.memory_space<hbm>>
    tpu.enqueue_indirect_dma source(%dma_start3A_23 : memref<8192x32xf32, #tpu.memory_space<hbm>>) target(%dma_start3A_17 : memref<128x32xf32, #tpu.memory_space<vmem>>) offsets(%dma_start3A_20 : memref<128xi32, #tpu.memory_space<vmem>>) semaphore(%arg7 : memref<!tpu.dma_semaphore, #tpu.memory_space<semaphore_mem>>)
    %dma_start3A_24 = arith.constant 2 : i32
    %dma_start3A_25 = arith.constant 256 : i32
    %dma_start3A_26 = arith.constant 0 : i32
    %dma_start3A_27 = tpu.memref_slice %arg6[%dma_start3A_25, %dma_start3A_26] : memref<2048x32xf32, #tpu.memory_space<vmem>> -> memref<128x32xf32, #tpu.memory_space<vmem>>
    %dma_start3A_28 = arith.constant 0 : i32
    %dma_start3A_29 = tpu.memref_slice %arg5[%dma_start3A_24, %dma_start3A_28] : memref<16x128xi32, #tpu.memory_space<vmem>> -> memref<1x128xi32, #tpu.memory_space<vmem>>
    %dma_start3A_30 = tpu.memref_squeeze %dma_start3A_29 : memref<1x128xi32, #tpu.memory_space<vmem>> -> memref<128xi32, #tpu.memory_space<vmem>>
    %dma_start3A_31 = arith.constant 0 : i32
    %dma_start3A_32 = arith.constant 0 : i32
    %dma_start3A_33 = tpu.memref_slice %arg2[%dma_start3A_31, %dma_start3A_32] : memref<8192x32xf32, #tpu.memory_space<hbm>> -> memref<8192x32xf32, #tpu.memory_space<hbm>>
    tpu.enqueue_indirect_dma source(%dma_start3A_33 : memref<8192x32xf32, #tpu.memory_space<hbm>>) target(%dma_start3A_27 : memref<128x32xf32, #tpu.memory_space<vmem>>) offsets(%dma_start3A_30 : memref<128xi32, #tpu.memory_space<vmem>>) semaphore(%arg7 : memref<!tpu.dma_semaphore, #tpu.memory_space<semaphore_mem>>)
    %dma_start3A_34 = arith.constant 3 : i32
    %dma_start3A_35 = arith.constant 384 : i32
    %dma_start3A_36 = arith.constant 0 : i32
    %dma_start3A_37 = tpu.memref_slice %arg6[%dma_start3A_35, %dma_start3A_36] : memref<2048x32xf32, #tpu.memory_space<vmem>> -> memref<128x32xf32, #tpu.memory_space<vmem>>
    %dma_start3A_38 = arith.constant 0 : i32
    %dma_start3A_39 = tpu.memref_slice %arg5[%dma_start3A_34, %dma_start3A_38] : memref<16x128xi32, #tpu.memory_space<vmem>> -> memref<1x128xi32, #tpu.memory_space<vmem>>
    %dma_start3A_40 = tpu.memref_squeeze %dma_start3A_39 : memref<1x128xi32, #tpu.memory_space<vmem>> -> memref<128xi32, #tpu.memory_space<vmem>>
    %dma_start3A_41 = arith.constant 0 : i32
    %dma_start3A_42 = arith.constant 0 : i32
    %dma_start3A_43 = tpu.memref_slice %arg2[%dma_start3A_41, %dma_start3A_42] : memref<8192x32xf32, #tpu.memory_space<hbm>> -> memref<8192x32xf32, #tpu.memory_space<hbm>>
    tpu.enqueue_indirect_dma source(%dma_start3A_43 : memref<8192x32xf32, #tpu.memory_space<hbm>>) target(%dma_start3A_37 : memref<128x32xf32, #tpu.memory_space<vmem>>) offsets(%dma_start3A_40 : memref<128xi32, #tpu.memory_space<vmem>>) semaphore(%arg7 : memref<!tpu.dma_semaphore, #tpu.memory_space<semaphore_mem>>)
    %dma_start3A_44 = arith.constant 4 : i32
    %dma_start3A_45 = arith.constant 512 : i32
    %dma_start3A_46 = arith.constant 0 : i32
    %dma_start3A_47 = tpu.memref_slice %arg6[%dma_start3A_45, %dma_start3A_46] : memref<2048x32xf32, #tpu.memory_space<vmem>> -> memref<128x32xf32, #tpu.memory_space<vmem>>
    %dma_start3A_48 = arith.constant 0 : i32
    %dma_start3A_49 = tpu.memref_slice %arg5[%dma_start3A_44, %dma_start3A_48] : memref<16x128xi32, #tpu.memory_space<vmem>> -> memref<1x128xi32, #tpu.memory_space<vmem>>
    %dma_start3A_50 = tpu.memref_squeeze %dma_start3A_49 : memref<1x128xi32, #tpu.memory_space<vmem>> -> memref<128xi32, #tpu.memory_space<vmem>>
    %dma_start3A_51 = arith.constant 0 : i32
    %dma_start3A_52 = arith.constant 0 : i32
    %dma_start3A_53 = tpu.memref_slice %arg2[%dma_start3A_51, %dma_start3A_52] : memref<8192x32xf32, #tpu.memory_space<hbm>> -> memref<8192x32xf32, #tpu.memory_space<hbm>>
    tpu.enqueue_indirect_dma source(%dma_start3A_53 : memref<8192x32xf32, #tpu.memory_space<hbm>>) target(%dma_start3A_47 : memref<128x32xf32, #tpu.memory_space<vmem>>) offsets(%dma_start3A_50 : memref<128xi32, #tpu.memory_space<vmem>>) semaphore(%arg7 : memref<!tpu.dma_semaphore, #tpu.memory_space<semaphore_mem>>)
    %dma_start3A_54 = arith.constant 5 : i32
    %dma_start3A_55 = arith.constant 640 : i32
    %dma_start3A_56 = arith.constant 0 : i32
    %dma_start3A_57 = tpu.memref_slice %arg6[%dma_start3A_55, %dma_start3A_56] : memref<2048x32xf32, #tpu.memory_space<vmem>> -> memref<128x32xf32, #tpu.memory_space<vmem>>
    %dma_start3A_58 = arith.constant 0 : i32
    %dma_start3A_59 = tpu.memref_slice %arg5[%dma_start3A_54, %dma_start3A_58] : memref<16x128xi32, #tpu.memory_space<vmem>> -> memref<1x128xi32, #tpu.memory_space<vmem>>
    %dma_start3A_60 = tpu.memref_squeeze %dma_start3A_59 : memref<1x128xi32, #tpu.memory_space<vmem>> -> memref<128xi32, #tpu.memory_space<vmem>>
    %dma_start3A_61 = arith.constant 0 : i32
    %dma_start3A_62 = arith.constant 0 : i32
    %dma_start3A_63 = tpu.memref_slice %arg2[%dma_start3A_61, %dma_start3A_62] : memref<8192x32xf32, #tpu.memory_space<hbm>> -> memref<8192x32xf32, #tpu.memory_space<hbm>>
    tpu.enqueue_indirect_dma source(%dma_start3A_63 : memref<8192x32xf32, #tpu.memory_space<hbm>>) target(%dma_start3A_57 : memref<128x32xf32, #tpu.memory_space<vmem>>) offsets(%dma_start3A_60 : memref<128xi32, #tpu.memory_space<vmem>>) semaphore(%arg7 : memref<!tpu.dma_semaphore, #tpu.memory_space<semaphore_mem>>)
    %dma_start3A_64 = arith.constant 6 : i32
    %dma_start3A_65 = arith.constant 768 : i32
    %dma_start3A_66 = arith.constant 0 : i32
    %dma_start3A_67 = tpu.memref_slice %arg6[%dma_start3A_65, %dma_start3A_66] : memref<2048x32xf32, #tpu.memory_space<vmem>> -> memref<128x32xf32, #tpu.memory_space<vmem>>
    %dma_start3A_68 = arith.constant 0 : i32
    %dma_start3A_69 = tpu.memref_slice %arg5[%dma_start3A_64, %dma_start3A_68] : memref<16x128xi32, #tpu.memory_space<vmem>> -> memref<1x128xi32, #tpu.memory_space<vmem>>
    %dma_start3A_70 = tpu.memref_squeeze %dma_start3A_69 : memref<1x128xi32, #tpu.memory_space<vmem>> -> memref<128xi32, #tpu.memory_space<vmem>>
    %dma_start3A_71 = arith.constant 0 : i32
    %dma_start3A_72 = arith.constant 0 : i32
    %dma_start3A_73 = tpu.memref_slice %arg2[%dma_start3A_71, %dma_start3A_72] : memref<8192x32xf32, #tpu.memory_space<hbm>> -> memref<8192x32xf32, #tpu.memory_space<hbm>>
    tpu.enqueue_indirect_dma source(%dma_start3A_73 : memref<8192x32xf32, #tpu.memory_space<hbm>>) target(%dma_start3A_67 : memref<128x32xf32, #tpu.memory_space<vmem>>) offsets(%dma_start3A_70 : memref<128xi32, #tpu.memory_space<vmem>>) semaphore(%arg7 : memref<!tpu.dma_semaphore, #tpu.memory_space<semaphore_mem>>)
    %dma_start3A_74 = arith.constant 7 : i32
    %dma_start3A_75 = arith.constant 896 : i32
    %dma_start3A_76 = arith.constant 0 : i32
    %dma_start3A_77 = tpu.memref_slice %arg6[%dma_start3A_75, %dma_start3A_76] : memref<2048x32xf32, #tpu.memory_space<vmem>> -> memref<128x32xf32, #tpu.memory_space<vmem>>
    %dma_start3A_78 = arith.constant 0 : i32
    %dma_start3A_79 = tpu.memref_slice %arg5[%dma_start3A_74, %dma_start3A_78] : memref<16x128xi32, #tpu.memory_space<vmem>> -> memref<1x128xi32, #tpu.memory_space<vmem>>
    %dma_start3A_80 = tpu.memref_squeeze %dma_start3A_79 : memref<1x128xi32, #tpu.memory_space<vmem>> -> memref<128xi32, #tpu.memory_space<vmem>>
    %dma_start3A_81 = arith.constant 0 : i32
    %dma_start3A_82 = arith.constant 0 : i32
    %dma_start3A_83 = tpu.memref_slice %arg2[%dma_start3A_81, %dma_start3A_82] : memref<8192x32xf32, #tpu.memory_space<hbm>> -> memref<8192x32xf32, #tpu.memory_space<hbm>>
    tpu.enqueue_indirect_dma source(%dma_start3A_83 : memref<8192x32xf32, #tpu.memory_space<hbm>>) target(%dma_start3A_77 : memref<128x32xf32, #tpu.memory_space<vmem>>) offsets(%dma_start3A_80 : memref<128xi32, #tpu.memory_space<vmem>>) semaphore(%arg7 : memref<!tpu.dma_semaphore, #tpu.memory_space<semaphore_mem>>)
    %dma_start3A_84 = arith.constant 8 : i32
    %dma_start3A_85 = arith.constant 1024 : i32
    %dma_start3A_86 = arith.constant 0 : i32
    %dma_start3A_87 = tpu.memref_slice %arg6[%dma_start3A_85, %dma_start3A_86] : memref<2048x32xf32, #tpu.memory_space<vmem>> -> memref<128x32xf32, #tpu.memory_space<vmem>>
    %dma_start3A_88 = arith.constant 0 : i32
    %dma_start3A_89 = tpu.memref_slice %arg5[%dma_start3A_84, %dma_start3A_88] : memref<16x128xi32, #tpu.memory_space<vmem>> -> memref<1x128xi32, #tpu.memory_space<vmem>>
    %dma_start3A_90 = tpu.memref_squeeze %dma_start3A_89 : memref<1x128xi32, #tpu.memory_space<vmem>> -> memref<128xi32, #tpu.memory_space<vmem>>
    %dma_start3A_91 = arith.constant 0 : i32
    %dma_start3A_92 = arith.constant 0 : i32
    %dma_start3A_93 = tpu.memref_slice %arg2[%dma_start3A_91, %dma_start3A_92] : memref<8192x32xf32, #tpu.memory_space<hbm>> -> memref<8192x32xf32, #tpu.memory_space<hbm>>
    tpu.enqueue_indirect_dma source(%dma_start3A_93 : memref<8192x32xf32, #tpu.memory_space<hbm>>) target(%dma_start3A_87 : memref<128x32xf32, #tpu.memory_space<vmem>>) offsets(%dma_start3A_90 : memref<128xi32, #tpu.memory_space<vmem>>) semaphore(%arg7 : memref<!tpu.dma_semaphore, #tpu.memory_space<semaphore_mem>>)
    %dma_start3A_94 = arith.constant 9 : i32
    %dma_start3A_95 = arith.constant 1152 : i32
    %dma_start3A_96 = arith.constant 0 : i32
    %dma_start3A_97 = tpu.memref_slice %arg6[%dma_start3A_95, %dma_start3A_96] : memref<2048x32xf32, #tpu.memory_space<vmem>> -> memref<128x32xf32, #tpu.memory_space<vmem>>
    %dma_start3A_98 = arith.constant 0 : i32
    %dma_start3A_99 = tpu.memref_slice %arg5[%dma_start3A_94, %dma_start3A_98] : memref<16x128xi32, #tpu.memory_space<vmem>> -> memref<1x128xi32, #tpu.memory_space<vmem>>
    %dma_start3A_100 = tpu.memref_squeeze %dma_start3A_99 : memref<1x128xi32, #tpu.memory_space<vmem>> -> memref<128xi32, #tpu.memory_space<vmem>>
    %dma_start3A_101 = arith.constant 0 : i32
    %dma_start3A_102 = arith.constant 0 : i32
    %dma_start3A_103 = tpu.memref_slice %arg2[%dma_start3A_101, %dma_start3A_102] : memref<8192x32xf32, #tpu.memory_space<hbm>> -> memref<8192x32xf32, #tpu.memory_space<hbm>>
    tpu.enqueue_indirect_dma source(%dma_start3A_103 : memref<8192x32xf32, #tpu.memory_space<hbm>>) target(%dma_start3A_97 : memref<128x32xf32, #tpu.memory_space<vmem>>) offsets(%dma_start3A_100 : memref<128xi32, #tpu.memory_space<vmem>>) semaphore(%arg7 : memref<!tpu.dma_semaphore, #tpu.memory_space<semaphore_mem>>)
    %dma_start3A_104 = arith.constant 10 : i32
    %dma_start3A_105 = arith.constant 1280 : i32
    %dma_start3A_106 = arith.constant 0 : i32
    %dma_start3A_107 = tpu.memref_slice %arg6[%dma_start3A_105, %dma_start3A_106] : memref<2048x32xf32, #tpu.memory_space<vmem>> -> memref<128x32xf32, #tpu.memory_space<vmem>>
    %dma_start3A_108 = arith.constant 0 : i32
    %dma_start3A_109 = tpu.memref_slice %arg5[%dma_start3A_104, %dma_start3A_108] : memref<16x128xi32, #tpu.memory_space<vmem>> -> memref<1x128xi32, #tpu.memory_space<vmem>>
    %dma_start3A_110 = tpu.memref_squeeze %dma_start3A_109 : memref<1x128xi32, #tpu.memory_space<vmem>> -> memref<128xi32, #tpu.memory_space<vmem>>
    %dma_start3A_111 = arith.constant 0 : i32
    %dma_start3A_112 = arith.constant 0 : i32
    %dma_start3A_113 = tpu.memref_slice %arg2[%dma_start3A_111, %dma_start3A_112] : memref<8192x32xf32, #tpu.memory_space<hbm>> -> memref<8192x32xf32, #tpu.memory_space<hbm>>
    tpu.enqueue_indirect_dma source(%dma_start3A_113 : memref<8192x32xf32, #tpu.memory_space<hbm>>) target(%dma_start3A_107 : memref<128x32xf32, #tpu.memory_space<vmem>>) offsets(%dma_start3A_110 : memref<128xi32, #tpu.memory_space<vmem>>) semaphore(%arg7 : memref<!tpu.dma_semaphore, #tpu.memory_space<semaphore_mem>>)
    %dma_start3A_114 = arith.constant 11 : i32
    %dma_start3A_115 = arith.constant 1408 : i32
    %dma_start3A_116 = arith.constant 0 : i32
    %dma_start3A_117 = tpu.memref_slice %arg6[%dma_start3A_115, %dma_start3A_116] : memref<2048x32xf32, #tpu.memory_space<vmem>> -> memref<128x32xf32, #tpu.memory_space<vmem>>
    %dma_start3A_118 = arith.constant 0 : i32
    %dma_start3A_119 = tpu.memref_slice %arg5[%dma_start3A_114, %dma_start3A_118] : memref<16x128xi32, #tpu.memory_space<vmem>> -> memref<1x128xi32, #tpu.memory_space<vmem>>
    %dma_start3A_120 = tpu.memref_squeeze %dma_start3A_119 : memref<1x128xi32, #tpu.memory_space<vmem>> -> memref<128xi32, #tpu.memory_space<vmem>>
    %dma_start3A_121 = arith.constant 0 : i32
    %dma_start3A_122 = arith.constant 0 : i32
    %dma_start3A_123 = tpu.memref_slice %arg2[%dma_start3A_121, %dma_start3A_122] : memref<8192x32xf32, #tpu.memory_space<hbm>> -> memref<8192x32xf32, #tpu.memory_space<hbm>>
    tpu.enqueue_indirect_dma source(%dma_start3A_123 : memref<8192x32xf32, #tpu.memory_space<hbm>>) target(%dma_start3A_117 : memref<128x32xf32, #tpu.memory_space<vmem>>) offsets(%dma_start3A_120 : memref<128xi32, #tpu.memory_space<vmem>>) semaphore(%arg7 : memref<!tpu.dma_semaphore, #tpu.memory_space<semaphore_mem>>)
    %dma_start3A_124 = arith.constant 12 : i32
    %dma_start3A_125 = arith.constant 1536 : i32
    %dma_start3A_126 = arith.constant 0 : i32
    %dma_start3A_127 = tpu.memref_slice %arg6[%dma_start3A_125, %dma_start3A_126] : memref<2048x32xf32, #tpu.memory_space<vmem>> -> memref<128x32xf32, #tpu.memory_space<vmem>>
    %dma_start3A_128 = arith.constant 0 : i32
    %dma_start3A_129 = tpu.memref_slice %arg5[%dma_start3A_124, %dma_start3A_128] : memref<16x128xi32, #tpu.memory_space<vmem>> -> memref<1x128xi32, #tpu.memory_space<vmem>>
    %dma_start3A_130 = tpu.memref_squeeze %dma_start3A_129 : memref<1x128xi32, #tpu.memory_space<vmem>> -> memref<128xi32, #tpu.memory_space<vmem>>
    %dma_start3A_131 = arith.constant 0 : i32
    %dma_start3A_132 = arith.constant 0 : i32
    %dma_start3A_133 = tpu.memref_slice %arg2[%dma_start3A_131, %dma_start3A_132] : memref<8192x32xf32, #tpu.memory_space<hbm>> -> memref<8192x32xf32, #tpu.memory_space<hbm>>
    tpu.enqueue_indirect_dma source(%dma_start3A_133 : memref<8192x32xf32, #tpu.memory_space<hbm>>) target(%dma_start3A_127 : memref<128x32xf32, #tpu.memory_space<vmem>>) offsets(%dma_start3A_130 : memref<128xi32, #tpu.memory_space<vmem>>) semaphore(%arg7 : memref<!tpu.dma_semaphore, #tpu.memory_space<semaphore_mem>>)
    %dma_start3A_134 = arith.constant 13 : i32
    %dma_start3A_135 = arith.constant 1664 : i32
    %dma_start3A_136 = arith.constant 0 : i32
    %dma_start3A_137 = tpu.memref_slice %arg6[%dma_start3A_135, %dma_start3A_136] : memref<2048x32xf32, #tpu.memory_space<vmem>> -> memref<128x32xf32, #tpu.memory_space<vmem>>
    %dma_start3A_138 = arith.constant 0 : i32
    %dma_start3A_139 = tpu.memref_slice %arg5[%dma_start3A_134, %dma_start3A_138] : memref<16x128xi32, #tpu.memory_space<vmem>> -> memref<1x128xi32, #tpu.memory_space<vmem>>
    %dma_start3A_140 = tpu.memref_squeeze %dma_start3A_139 : memref<1x128xi32, #tpu.memory_space<vmem>> -> memref<128xi32, #tpu.memory_space<vmem>>
    %dma_start3A_141 = arith.constant 0 : i32
    %dma_start3A_142 = arith.constant 0 : i32
    %dma_start3A_143 = tpu.memref_slice %arg2[%dma_start3A_141, %dma_start3A_142] : memref<8192x32xf32, #tpu.memory_space<hbm>> -> memref<8192x32xf32, #tpu.memory_space<hbm>>
    tpu.enqueue_indirect_dma source(%dma_start3A_143 : memref<8192x32xf32, #tpu.memory_space<hbm>>) target(%dma_start3A_137 : memref<128x32xf32, #tpu.memory_space<vmem>>) offsets(%dma_start3A_140 : memref<128xi32, #tpu.memory_space<vmem>>) semaphore(%arg7 : memref<!tpu.dma_semaphore, #tpu.memory_space<semaphore_mem>>)
    %dma_start3A_144 = arith.constant 14 : i32
    %dma_start3A_145 = arith.constant 1792 : i32
    %dma_start3A_146 = arith.constant 0 : i32
    %dma_start3A_147 = tpu.memref_slice %arg6[%dma_start3A_145, %dma_start3A_146] : memref<2048x32xf32, #tpu.memory_space<vmem>> -> memref<128x32xf32, #tpu.memory_space<vmem>>
    %dma_start3A_148 = arith.constant 0 : i32
    %dma_start3A_149 = tpu.memref_slice %arg5[%dma_start3A_144, %dma_start3A_148] : memref<16x128xi32, #tpu.memory_space<vmem>> -> memref<1x128xi32, #tpu.memory_space<vmem>>
    %dma_start3A_150 = tpu.memref_squeeze %dma_start3A_149 : memref<1x128xi32, #tpu.memory_space<vmem>> -> memref<128xi32, #tpu.memory_space<vmem>>
    %dma_start3A_151 = arith.constant 0 : i32
    %dma_start3A_152 = arith.constant 0 : i32
    %dma_start3A_153 = tpu.memref_slice %arg2[%dma_start3A_151, %dma_start3A_152] : memref<8192x32xf32, #tpu.memory_space<hbm>> -> memref<8192x32xf32, #tpu.memory_space<hbm>>
    tpu.enqueue_indirect_dma source(%dma_start3A_153 : memref<8192x32xf32, #tpu.memory_space<hbm>>) target(%dma_start3A_147 : memref<128x32xf32, #tpu.memory_space<vmem>>) offsets(%dma_start3A_150 : memref<128xi32, #tpu.memory_space<vmem>>) semaphore(%arg7 : memref<!tpu.dma_semaphore, #tpu.memory_space<semaphore_mem>>)
    %dma_start3A_154 = arith.constant 15 : i32
    %dma_start3A_155 = arith.constant 1920 : i32
    %dma_start3A_156 = arith.constant 0 : i32
    %dma_start3A_157 = tpu.memref_slice %arg6[%dma_start3A_155, %dma_start3A_156] : memref<2048x32xf32, #tpu.memory_space<vmem>> -> memref<128x32xf32, #tpu.memory_space<vmem>>
    %dma_start3A_158 = arith.constant 0 : i32
    %dma_start3A_159 = tpu.memref_slice %arg5[%dma_start3A_154, %dma_start3A_158] : memref<16x128xi32, #tpu.memory_space<vmem>> -> memref<1x128xi32, #tpu.memory_space<vmem>>
    %dma_start3A_160 = tpu.memref_squeeze %dma_start3A_159 : memref<1x128xi32, #tpu.memory_space<vmem>> -> memref<128xi32, #tpu.memory_space<vmem>>
    %dma_start3A_161 = arith.constant 0 : i32
    %dma_start3A_162 = arith.constant 0 : i32
    %dma_start3A_163 = tpu.memref_slice %arg2[%dma_start3A_161, %dma_start3A_162] : memref<8192x32xf32, #tpu.memory_space<hbm>> -> memref<8192x32xf32, #tpu.memory_space<hbm>>
    tpu.enqueue_indirect_dma source(%dma_start3A_163 : memref<8192x32xf32, #tpu.memory_space<hbm>>) target(%dma_start3A_157 : memref<128x32xf32, #tpu.memory_space<vmem>>) offsets(%dma_start3A_160 : memref<128xi32, #tpu.memory_space<vmem>>) semaphore(%arg7 : memref<!tpu.dma_semaphore, #tpu.memory_space<semaphore_mem>>)
    %dma_wait3A = arith.constant 0 : i32
    %dma_wait3A_164 = arith.constant 0 : i32
    %dma_wait3A_165 = arith.constant 0 : i32
    %dma_wait3A_166 = tpu.memref_slice %arg6[%dma_wait3A_164, %dma_wait3A_165] : memref<2048x32xf32, #tpu.memory_space<vmem>> -> memref<128x32xf32, #tpu.memory_space<vmem>>
    %dma_wait3A_167 = arith.constant 0 : i32
    %dma_wait3A_168 = tpu.memref_slice %arg5[%dma_wait3A, %dma_wait3A_167] : memref<16x128xi32, #tpu.memory_space<vmem>> -> memref<1x128xi32, #tpu.memory_space<vmem>>
    %dma_wait3A_169 = tpu.memref_squeeze %dma_wait3A_168 : memref<1x128xi32, #tpu.memory_space<vmem>> -> memref<128xi32, #tpu.memory_space<vmem>>
    %dma_wait3A_170 = arith.constant 0 : i32
    %dma_wait3A_171 = arith.constant 0 : i32
    %dma_wait3A_172 = tpu.memref_slice %arg2[%dma_wait3A_170, %dma_wait3A_171] : memref<8192x32xf32, #tpu.memory_space<hbm>> -> memref<8192x32xf32, #tpu.memory_space<hbm>>
    tpu.wait_indirect_dma semaphore(%arg7 : memref<!tpu.dma_semaphore, #tpu.memory_space<semaphore_mem>>) src(%dma_wait3A_172 : memref<8192x32xf32, #tpu.memory_space<hbm>>) dst(%dma_wait3A_166 : memref<128x32xf32, #tpu.memory_space<vmem>>)
    %dma_wait3A_173 = arith.constant 1 : i32
    %dma_wait3A_174 = arith.constant 128 : i32
    %dma_wait3A_175 = arith.constant 0 : i32
    %dma_wait3A_176 = tpu.memref_slice %arg6[%dma_wait3A_174, %dma_wait3A_175] : memref<2048x32xf32, #tpu.memory_space<vmem>> -> memref<128x32xf32, #tpu.memory_space<vmem>>
    %dma_wait3A_177 = arith.constant 0 : i32
    %dma_wait3A_178 = tpu.memref_slice %arg5[%dma_wait3A_173, %dma_wait3A_177] : memref<16x128xi32, #tpu.memory_space<vmem>> -> memref<1x128xi32, #tpu.memory_space<vmem>>
    %dma_wait3A_179 = tpu.memref_squeeze %dma_wait3A_178 : memref<1x128xi32, #tpu.memory_space<vmem>> -> memref<128xi32, #tpu.memory_space<vmem>>
    %dma_wait3A_180 = arith.constant 0 : i32
    %dma_wait3A_181 = arith.constant 0 : i32
    %dma_wait3A_182 = tpu.memref_slice %arg2[%dma_wait3A_180, %dma_wait3A_181] : memref<8192x32xf32, #tpu.memory_space<hbm>> -> memref<8192x32xf32, #tpu.memory_space<hbm>>
    tpu.wait_indirect_dma semaphore(%arg7 : memref<!tpu.dma_semaphore, #tpu.memory_space<semaphore_mem>>) src(%dma_wait3A_182 : memref<8192x32xf32, #tpu.memory_space<hbm>>) dst(%dma_wait3A_176 : memref<128x32xf32, #tpu.memory_space<vmem>>)
    %dma_wait3A_183 = arith.constant 2 : i32
    %dma_wait3A_184 = arith.constant 256 : i32
    %dma_wait3A_185 = arith.constant 0 : i32
    %dma_wait3A_186 = tpu.memref_slice %arg6[%dma_wait3A_184, %dma_wait3A_185] : memref<2048x32xf32, #tpu.memory_space<vmem>> -> memref<128x32xf32, #tpu.memory_space<vmem>>
    %dma_wait3A_187 = arith.constant 0 : i32
    %dma_wait3A_188 = tpu.memref_slice %arg5[%dma_wait3A_183, %dma_wait3A_187] : memref<16x128xi32, #tpu.memory_space<vmem>> -> memref<1x128xi32, #tpu.memory_space<vmem>>
    %dma_wait3A_189 = tpu.memref_squeeze %dma_wait3A_188 : memref<1x128xi32, #tpu.memory_space<vmem>> -> memref<128xi32, #tpu.memory_space<vmem>>
    %dma_wait3A_190 = arith.constant 0 : i32
    %dma_wait3A_191 = arith.constant 0 : i32
    %dma_wait3A_192 = tpu.memref_slice %arg2[%dma_wait3A_190, %dma_wait3A_191] : memref<8192x32xf32, #tpu.memory_space<hbm>> -> memref<8192x32xf32, #tpu.memory_space<hbm>>
    tpu.wait_indirect_dma semaphore(%arg7 : memref<!tpu.dma_semaphore, #tpu.memory_space<semaphore_mem>>) src(%dma_wait3A_192 : memref<8192x32xf32, #tpu.memory_space<hbm>>) dst(%dma_wait3A_186 : memref<128x32xf32, #tpu.memory_space<vmem>>)
    %dma_wait3A_193 = arith.constant 3 : i32
    %dma_wait3A_194 = arith.constant 384 : i32
    %dma_wait3A_195 = arith.constant 0 : i32
    %dma_wait3A_196 = tpu.memref_slice %arg6[%dma_wait3A_194, %dma_wait3A_195] : memref<2048x32xf32, #tpu.memory_space<vmem>> -> memref<128x32xf32, #tpu.memory_space<vmem>>
    %dma_wait3A_197 = arith.constant 0 : i32
    %dma_wait3A_198 = tpu.memref_slice %arg5[%dma_wait3A_193, %dma_wait3A_197] : memref<16x128xi32, #tpu.memory_space<vmem>> -> memref<1x128xi32, #tpu.memory_space<vmem>>
    %dma_wait3A_199 = tpu.memref_squeeze %dma_wait3A_198 : memref<1x128xi32, #tpu.memory_space<vmem>> -> memref<128xi32, #tpu.memory_space<vmem>>
    %dma_wait3A_200 = arith.constant 0 : i32
    %dma_wait3A_201 = arith.constant 0 : i32
    %dma_wait3A_202 = tpu.memref_slice %arg2[%dma_wait3A_200, %dma_wait3A_201] : memref<8192x32xf32, #tpu.memory_space<hbm>> -> memref<8192x32xf32, #tpu.memory_space<hbm>>
    tpu.wait_indirect_dma semaphore(%arg7 : memref<!tpu.dma_semaphore, #tpu.memory_space<semaphore_mem>>) src(%dma_wait3A_202 : memref<8192x32xf32, #tpu.memory_space<hbm>>) dst(%dma_wait3A_196 : memref<128x32xf32, #tpu.memory_space<vmem>>)
    %dma_wait3A_203 = arith.constant 4 : i32
    %dma_wait3A_204 = arith.constant 512 : i32
    %dma_wait3A_205 = arith.constant 0 : i32
    %dma_wait3A_206 = tpu.memref_slice %arg6[%dma_wait3A_204, %dma_wait3A_205] : memref<2048x32xf32, #tpu.memory_space<vmem>> -> memref<128x32xf32, #tpu.memory_space<vmem>>
    %dma_wait3A_207 = arith.constant 0 : i32
    %dma_wait3A_208 = tpu.memref_slice %arg5[%dma_wait3A_203, %dma_wait3A_207] : memref<16x128xi32, #tpu.memory_space<vmem>> -> memref<1x128xi32, #tpu.memory_space<vmem>>
    %dma_wait3A_209 = tpu.memref_squeeze %dma_wait3A_208 : memref<1x128xi32, #tpu.memory_space<vmem>> -> memref<128xi32, #tpu.memory_space<vmem>>
    %dma_wait3A_210 = arith.constant 0 : i32
    %dma_wait3A_211 = arith.constant 0 : i32
    %dma_wait3A_212 = tpu.memref_slice %arg2[%dma_wait3A_210, %dma_wait3A_211] : memref<8192x32xf32, #tpu.memory_space<hbm>> -> memref<8192x32xf32, #tpu.memory_space<hbm>>
    tpu.wait_indirect_dma semaphore(%arg7 : memref<!tpu.dma_semaphore, #tpu.memory_space<semaphore_mem>>) src(%dma_wait3A_212 : memref<8192x32xf32, #tpu.memory_space<hbm>>) dst(%dma_wait3A_206 : memref<128x32xf32, #tpu.memory_space<vmem>>)
    %dma_wait3A_213 = arith.constant 5 : i32
    %dma_wait3A_214 = arith.constant 640 : i32
    %dma_wait3A_215 = arith.constant 0 : i32
    %dma_wait3A_216 = tpu.memref_slice %arg6[%dma_wait3A_214, %dma_wait3A_215] : memref<2048x32xf32, #tpu.memory_space<vmem>> -> memref<128x32xf32, #tpu.memory_space<vmem>>
    %dma_wait3A_217 = arith.constant 0 : i32
    %dma_wait3A_218 = tpu.memref_slice %arg5[%dma_wait3A_213, %dma_wait3A_217] : memref<16x128xi32, #tpu.memory_space<vmem>> -> memref<1x128xi32, #tpu.memory_space<vmem>>
    %dma_wait3A_219 = tpu.memref_squeeze %dma_wait3A_218 : memref<1x128xi32, #tpu.memory_space<vmem>> -> memref<128xi32, #tpu.memory_space<vmem>>
    %dma_wait3A_220 = arith.constant 0 : i32
    %dma_wait3A_221 = arith.constant 0 : i32
    %dma_wait3A_222 = tpu.memref_slice %arg2[%dma_wait3A_220, %dma_wait3A_221] : memref<8192x32xf32, #tpu.memory_space<hbm>> -> memref<8192x32xf32, #tpu.memory_space<hbm>>
    tpu.wait_indirect_dma semaphore(%arg7 : memref<!tpu.dma_semaphore, #tpu.memory_space<semaphore_mem>>) src(%dma_wait3A_222 : memref<8192x32xf32, #tpu.memory_space<hbm>>) dst(%dma_wait3A_216 : memref<128x32xf32, #tpu.memory_space<vmem>>)
    %dma_wait3A_223 = arith.constant 6 : i32
    %dma_wait3A_224 = arith.constant 768 : i32
    %dma_wait3A_225 = arith.constant 0 : i32
    %dma_wait3A_226 = tpu.memref_slice %arg6[%dma_wait3A_224, %dma_wait3A_225] : memref<2048x32xf32, #tpu.memory_space<vmem>> -> memref<128x32xf32, #tpu.memory_space<vmem>>
    %dma_wait3A_227 = arith.constant 0 : i32
    %dma_wait3A_228 = tpu.memref_slice %arg5[%dma_wait3A_223, %dma_wait3A_227] : memref<16x128xi32, #tpu.memory_space<vmem>> -> memref<1x128xi32, #tpu.memory_space<vmem>>
    %dma_wait3A_229 = tpu.memref_squeeze %dma_wait3A_228 : memref<1x128xi32, #tpu.memory_space<vmem>> -> memref<128xi32, #tpu.memory_space<vmem>>
    %dma_wait3A_230 = arith.constant 0 : i32
    %dma_wait3A_231 = arith.constant 0 : i32
    %dma_wait3A_232 = tpu.memref_slice %arg2[%dma_wait3A_230, %dma_wait3A_231] : memref<8192x32xf32, #tpu.memory_space<hbm>> -> memref<8192x32xf32, #tpu.memory_space<hbm>>
    tpu.wait_indirect_dma semaphore(%arg7 : memref<!tpu.dma_semaphore, #tpu.memory_space<semaphore_mem>>) src(%dma_wait3A_232 : memref<8192x32xf32, #tpu.memory_space<hbm>>) dst(%dma_wait3A_226 : memref<128x32xf32, #tpu.memory_space<vmem>>)
    %dma_wait3A_233 = arith.constant 7 : i32
    %dma_wait3A_234 = arith.constant 896 : i32
    %dma_wait3A_235 = arith.constant 0 : i32
    %dma_wait3A_236 = tpu.memref_slice %arg6[%dma_wait3A_234, %dma_wait3A_235] : memref<2048x32xf32, #tpu.memory_space<vmem>> -> memref<128x32xf32, #tpu.memory_space<vmem>>
    %dma_wait3A_237 = arith.constant 0 : i32
    %dma_wait3A_238 = tpu.memref_slice %arg5[%dma_wait3A_233, %dma_wait3A_237] : memref<16x128xi32, #tpu.memory_space<vmem>> -> memref<1x128xi32, #tpu.memory_space<vmem>>
    %dma_wait3A_239 = tpu.memref_squeeze %dma_wait3A_238 : memref<1x128xi32, #tpu.memory_space<vmem>> -> memref<128xi32, #tpu.memory_space<vmem>>
    %dma_wait3A_240 = arith.constant 0 : i32
    %dma_wait3A_241 = arith.constant 0 : i32
    %dma_wait3A_242 = tpu.memref_slice %arg2[%dma_wait3A_240, %dma_wait3A_241] : memref<8192x32xf32, #tpu.memory_space<hbm>> -> memref<8192x32xf32, #tpu.memory_space<hbm>>
    tpu.wait_indirect_dma semaphore(%arg7 : memref<!tpu.dma_semaphore, #tpu.memory_space<semaphore_mem>>) src(%dma_wait3A_242 : memref<8192x32xf32, #tpu.memory_space<hbm>>) dst(%dma_wait3A_236 : memref<128x32xf32, #tpu.memory_space<vmem>>)
    %dma_wait3A_243 = arith.constant 8 : i32
    %dma_wait3A_244 = arith.constant 1024 : i32
    %dma_wait3A_245 = arith.constant 0 : i32
    %dma_wait3A_246 = tpu.memref_slice %arg6[%dma_wait3A_244, %dma_wait3A_245] : memref<2048x32xf32, #tpu.memory_space<vmem>> -> memref<128x32xf32, #tpu.memory_space<vmem>>
    %dma_wait3A_247 = arith.constant 0 : i32
    %dma_wait3A_248 = tpu.memref_slice %arg5[%dma_wait3A_243, %dma_wait3A_247] : memref<16x128xi32, #tpu.memory_space<vmem>> -> memref<1x128xi32, #tpu.memory_space<vmem>>
    %dma_wait3A_249 = tpu.memref_squeeze %dma_wait3A_248 : memref<1x128xi32, #tpu.memory_space<vmem>> -> memref<128xi32, #tpu.memory_space<vmem>>
    %dma_wait3A_250 = arith.constant 0 : i32
    %dma_wait3A_251 = arith.constant 0 : i32
    %dma_wait3A_252 = tpu.memref_slice %arg2[%dma_wait3A_250, %dma_wait3A_251] : memref<8192x32xf32, #tpu.memory_space<hbm>> -> memref<8192x32xf32, #tpu.memory_space<hbm>>
    tpu.wait_indirect_dma semaphore(%arg7 : memref<!tpu.dma_semaphore, #tpu.memory_space<semaphore_mem>>) src(%dma_wait3A_252 : memref<8192x32xf32, #tpu.memory_space<hbm>>) dst(%dma_wait3A_246 : memref<128x32xf32, #tpu.memory_space<vmem>>)
    %dma_wait3A_253 = arith.constant 9 : i32
    %dma_wait3A_254 = arith.constant 1152 : i32
    %dma_wait3A_255 = arith.constant 0 : i32
    %dma_wait3A_256 = tpu.memref_slice %arg6[%dma_wait3A_254, %dma_wait3A_255] : memref<2048x32xf32, #tpu.memory_space<vmem>> -> memref<128x32xf32, #tpu.memory_space<vmem>>
    %dma_wait3A_257 = arith.constant 0 : i32
    %dma_wait3A_258 = tpu.memref_slice %arg5[%dma_wait3A_253, %dma_wait3A_257] : memref<16x128xi32, #tpu.memory_space<vmem>> -> memref<1x128xi32, #tpu.memory_space<vmem>>
    %dma_wait3A_259 = tpu.memref_squeeze %dma_wait3A_258 : memref<1x128xi32, #tpu.memory_space<vmem>> -> memref<128xi32, #tpu.memory_space<vmem>>
    %dma_wait3A_260 = arith.constant 0 : i32
    %dma_wait3A_261 = arith.constant 0 : i32
    %dma_wait3A_262 = tpu.memref_slice %arg2[%dma_wait3A_260, %dma_wait3A_261] : memref<8192x32xf32, #tpu.memory_space<hbm>> -> memref<8192x32xf32, #tpu.memory_space<hbm>>
    tpu.wait_indirect_dma semaphore(%arg7 : memref<!tpu.dma_semaphore, #tpu.memory_space<semaphore_mem>>) src(%dma_wait3A_262 : memref<8192x32xf32, #tpu.memory_space<hbm>>) dst(%dma_wait3A_256 : memref<128x32xf32, #tpu.memory_space<vmem>>)
    %dma_wait3A_263 = arith.constant 10 : i32
    %dma_wait3A_264 = arith.constant 1280 : i32
    %dma_wait3A_265 = arith.constant 0 : i32
    %dma_wait3A_266 = tpu.memref_slice %arg6[%dma_wait3A_264, %dma_wait3A_265] : memref<2048x32xf32, #tpu.memory_space<vmem>> -> memref<128x32xf32, #tpu.memory_space<vmem>>
    %dma_wait3A_267 = arith.constant 0 : i32
    %dma_wait3A_268 = tpu.memref_slice %arg5[%dma_wait3A_263, %dma_wait3A_267] : memref<16x128xi32, #tpu.memory_space<vmem>> -> memref<1x128xi32, #tpu.memory_space<vmem>>
    %dma_wait3A_269 = tpu.memref_squeeze %dma_wait3A_268 : memref<1x128xi32, #tpu.memory_space<vmem>> -> memref<128xi32, #tpu.memory_space<vmem>>
    %dma_wait3A_270 = arith.constant 0 : i32
    %dma_wait3A_271 = arith.constant 0 : i32
    %dma_wait3A_272 = tpu.memref_slice %arg2[%dma_wait3A_270, %dma_wait3A_271] : memref<8192x32xf32, #tpu.memory_space<hbm>> -> memref<8192x32xf32, #tpu.memory_space<hbm>>
    tpu.wait_indirect_dma semaphore(%arg7 : memref<!tpu.dma_semaphore, #tpu.memory_space<semaphore_mem>>) src(%dma_wait3A_272 : memref<8192x32xf32, #tpu.memory_space<hbm>>) dst(%dma_wait3A_266 : memref<128x32xf32, #tpu.memory_space<vmem>>)
    %dma_wait3A_273 = arith.constant 11 : i32
    %dma_wait3A_274 = arith.constant 1408 : i32
    %dma_wait3A_275 = arith.constant 0 : i32
    %dma_wait3A_276 = tpu.memref_slice %arg6[%dma_wait3A_274, %dma_wait3A_275] : memref<2048x32xf32, #tpu.memory_space<vmem>> -> memref<128x32xf32, #tpu.memory_space<vmem>>
    %dma_wait3A_277 = arith.constant 0 : i32
    %dma_wait3A_278 = tpu.memref_slice %arg5[%dma_wait3A_273, %dma_wait3A_277] : memref<16x128xi32, #tpu.memory_space<vmem>> -> memref<1x128xi32, #tpu.memory_space<vmem>>
    %dma_wait3A_279 = tpu.memref_squeeze %dma_wait3A_278 : memref<1x128xi32, #tpu.memory_space<vmem>> -> memref<128xi32, #tpu.memory_space<vmem>>
    %dma_wait3A_280 = arith.constant 0 : i32
    %dma_wait3A_281 = arith.constant 0 : i32
    %dma_wait3A_282 = tpu.memref_slice %arg2[%dma_wait3A_280, %dma_wait3A_281] : memref<8192x32xf32, #tpu.memory_space<hbm>> -> memref<8192x32xf32, #tpu.memory_space<hbm>>
    tpu.wait_indirect_dma semaphore(%arg7 : memref<!tpu.dma_semaphore, #tpu.memory_space<semaphore_mem>>) src(%dma_wait3A_282 : memref<8192x32xf32, #tpu.memory_space<hbm>>) dst(%dma_wait3A_276 : memref<128x32xf32, #tpu.memory_space<vmem>>)
    %dma_wait3A_283 = arith.constant 12 : i32
    %dma_wait3A_284 = arith.constant 1536 : i32
    %dma_wait3A_285 = arith.constant 0 : i32
    %dma_wait3A_286 = tpu.memref_slice %arg6[%dma_wait3A_284, %dma_wait3A_285] : memref<2048x32xf32, #tpu.memory_space<vmem>> -> memref<128x32xf32, #tpu.memory_space<vmem>>
    %dma_wait3A_287 = arith.constant 0 : i32
    %dma_wait3A_288 = tpu.memref_slice %arg5[%dma_wait3A_283, %dma_wait3A_287] : memref<16x128xi32, #tpu.memory_space<vmem>> -> memref<1x128xi32, #tpu.memory_space<vmem>>
    %dma_wait3A_289 = tpu.memref_squeeze %dma_wait3A_288 : memref<1x128xi32, #tpu.memory_space<vmem>> -> memref<128xi32, #tpu.memory_space<vmem>>
    %dma_wait3A_290 = arith.constant 0 : i32
    %dma_wait3A_291 = arith.constant 0 : i32
    %dma_wait3A_292 = tpu.memref_slice %arg2[%dma_wait3A_290, %dma_wait3A_291] : memref<8192x32xf32, #tpu.memory_space<hbm>> -> memref<8192x32xf32, #tpu.memory_space<hbm>>
    tpu.wait_indirect_dma semaphore(%arg7 : memref<!tpu.dma_semaphore, #tpu.memory_space<semaphore_mem>>) src(%dma_wait3A_292 : memref<8192x32xf32, #tpu.memory_space<hbm>>) dst(%dma_wait3A_286 : memref<128x32xf32, #tpu.memory_space<vmem>>)
    %dma_wait3A_293 = arith.constant 13 : i32
    %dma_wait3A_294 = arith.constant 1664 : i32
    %dma_wait3A_295 = arith.constant 0 : i32
    %dma_wait3A_296 = tpu.memref_slice %arg6[%dma_wait3A_294, %dma_wait3A_295] : memref<2048x32xf32, #tpu.memory_space<vmem>> -> memref<128x32xf32, #tpu.memory_space<vmem>>
    %dma_wait3A_297 = arith.constant 0 : i32
    %dma_wait3A_298 = tpu.memref_slice %arg5[%dma_wait3A_293, %dma_wait3A_297] : memref<16x128xi32, #tpu.memory_space<vmem>> -> memref<1x128xi32, #tpu.memory_space<vmem>>
    %dma_wait3A_299 = tpu.memref_squeeze %dma_wait3A_298 : memref<1x128xi32, #tpu.memory_space<vmem>> -> memref<128xi32, #tpu.memory_space<vmem>>
    %dma_wait3A_300 = arith.constant 0 : i32
    %dma_wait3A_301 = arith.constant 0 : i32
    %dma_wait3A_302 = tpu.memref_slice %arg2[%dma_wait3A_300, %dma_wait3A_301] : memref<8192x32xf32, #tpu.memory_space<hbm>> -> memref<8192x32xf32, #tpu.memory_space<hbm>>
    tpu.wait_indirect_dma semaphore(%arg7 : memref<!tpu.dma_semaphore, #tpu.memory_space<semaphore_mem>>) src(%dma_wait3A_302 : memref<8192x32xf32, #tpu.memory_space<hbm>>) dst(%dma_wait3A_296 : memref<128x32xf32, #tpu.memory_space<vmem>>)
    %dma_wait3A_303 = arith.constant 14 : i32
    %dma_wait3A_304 = arith.constant 1792 : i32
    %dma_wait3A_305 = arith.constant 0 : i32
    %dma_wait3A_306 = tpu.memref_slice %arg6[%dma_wait3A_304, %dma_wait3A_305] : memref<2048x32xf32, #tpu.memory_space<vmem>> -> memref<128x32xf32, #tpu.memory_space<vmem>>
    %dma_wait3A_307 = arith.constant 0 : i32
    %dma_wait3A_308 = tpu.memref_slice %arg5[%dma_wait3A_303, %dma_wait3A_307] : memref<16x128xi32, #tpu.memory_space<vmem>> -> memref<1x128xi32, #tpu.memory_space<vmem>>
    %dma_wait3A_309 = tpu.memref_squeeze %dma_wait3A_308 : memref<1x128xi32, #tpu.memory_space<vmem>> -> memref<128xi32, #tpu.memory_space<vmem>>
    %dma_wait3A_310 = arith.constant 0 : i32
    %dma_wait3A_311 = arith.constant 0 : i32
    %dma_wait3A_312 = tpu.memref_slice %arg2[%dma_wait3A_310, %dma_wait3A_311] : memref<8192x32xf32, #tpu.memory_space<hbm>> -> memref<8192x32xf32, #tpu.memory_space<hbm>>
    tpu.wait_indirect_dma semaphore(%arg7 : memref<!tpu.dma_semaphore, #tpu.memory_space<semaphore_mem>>) src(%dma_wait3A_312 : memref<8192x32xf32, #tpu.memory_space<hbm>>) dst(%dma_wait3A_306 : memref<128x32xf32, #tpu.memory_space<vmem>>)
    %dma_wait3A_313 = arith.constant 15 : i32
    %dma_wait3A_314 = arith.constant 1920 : i32
    %dma_wait3A_315 = arith.constant 0 : i32
    %dma_wait3A_316 = tpu.memref_slice %arg6[%dma_wait3A_314, %dma_wait3A_315] : memref<2048x32xf32, #tpu.memory_space<vmem>> -> memref<128x32xf32, #tpu.memory_space<vmem>>
    %dma_wait3A_317 = arith.constant 0 : i32
    %dma_wait3A_318 = tpu.memref_slice %arg5[%dma_wait3A_313, %dma_wait3A_317] : memref<16x128xi32, #tpu.memory_space<vmem>> -> memref<1x128xi32, #tpu.memory_space<vmem>>
    %dma_wait3A_319 = tpu.memref_squeeze %dma_wait3A_318 : memref<1x128xi32, #tpu.memory_space<vmem>> -> memref<128xi32, #tpu.memory_space<vmem>>
    %dma_wait3A_320 = arith.constant 0 : i32
    %dma_wait3A_321 = arith.constant 0 : i32
    %dma_wait3A_322 = tpu.memref_slice %arg2[%dma_wait3A_320, %dma_wait3A_321] : memref<8192x32xf32, #tpu.memory_space<hbm>> -> memref<8192x32xf32, #tpu.memory_space<hbm>>
    tpu.wait_indirect_dma semaphore(%arg7 : memref<!tpu.dma_semaphore, #tpu.memory_space<semaphore_mem>>) src(%dma_wait3A_322 : memref<8192x32xf32, #tpu.memory_space<hbm>>) dst(%dma_wait3A_316 : memref<128x32xf32, #tpu.memory_space<vmem>>)
    "tpu.region"() ({
      %run_scoped3A = tpu.sem_alloc : memref<!tpu.dma_semaphore, #tpu.memory_space<semaphore_mem>>
      %dma_start3A_323 = arith.constant 0 : i32
      %dma_start3A_324 = tpu.memref_slice %arg4[%mul3A_2, %dma_start3A_323] : memref<65536x32xf32, #tpu.memory_space<hbm>> -> memref<2048x32xf32, #tpu.memory_space<hbm>>
      %dma_start3A_325 = arith.constant 0 : i32
      %dma_start3A_326 = tpu.memref_slice %arg4[%mul3A_2, %dma_start3A_325] : memref<65536x32xf32, #tpu.memory_space<hbm>> -> memref<2048x32xf32, #tpu.memory_space<hbm>>
      tpu.enqueue_dma source(%arg6 : memref<2048x32xf32, #tpu.memory_space<vmem>>) target(%dma_start3A_326 : memref<2048x32xf32, #tpu.memory_space<hbm>>) target_semaphore(%run_scoped3A : memref<!tpu.dma_semaphore, #tpu.memory_space<semaphore_mem>>)
      %dma_wait3A_327 = arith.constant 0 : i32
      %dma_wait3A_328 = tpu.memref_slice %arg4[%mul3A_2, %dma_wait3A_327] : memref<65536x32xf32, #tpu.memory_space<hbm>> -> memref<2048x32xf32, #tpu.memory_space<hbm>>
      %dma_wait3A_329 = arith.constant 0 : i32
      %dma_wait3A_330 = tpu.memref_slice %arg4[%mul3A_2, %dma_wait3A_329] : memref<65536x32xf32, #tpu.memory_space<hbm>> -> memref<2048x32xf32, #tpu.memory_space<hbm>>
      tpu.wait_dma2 semaphore(%run_scoped3A : memref<!tpu.dma_semaphore, #tpu.memory_space<semaphore_mem>>) src(%arg6 : memref<2048x32xf32, #tpu.memory_space<vmem>>) dst(%dma_wait3A_330 : memref<2048x32xf32, #tpu.memory_space<hbm>>)
      tpu.yield
    }) : () -> ()
    return
  }
}

module attributes {stable_mosaic.version = 14 : i64} {
  func.func @_dist_argmin_body(%arg0: i32, %arg1: memref<512x32xf32, #tpu.memory_space<vmem>>, %arg2: memref<32x8192xf32, #tpu.memory_space<vmem>>, %arg3: memref<1x1x512xi32, #tpu.memory_space<vmem>>, %arg4: memref<1x1xf32, #tpu.memory_space<smem>>) attributes {dimension_semantics = [#tpu.dimension_semantics<arbitrary>], iteration_bounds = array<i64: 128>, scalar_prefetch = 0 : i64, scratch_operands = 0 : i64, tpu.core_type = #tpu.core_type<tc>, window_params = [{transform_indices = @transform_0, window_bounds = array<i64: 512, 32>}, {pipeline_mode = #tpu.pipeline_mode<synchronous>, transform_indices = @transform_1, window_bounds = array<i64: 32, 8192>}, {transform_indices = @transform_2, window_bounds = array<i64: 1, 1, 512>}, {transform_indices = @transform_3, window_bounds = array<i64: 1, 1>}]} {
    %get3A = arith.constant 0 : index
    %get3A_0 = arith.constant 0 : index
    %get3A_1 = vector.load %arg1[%get3A, %get3A_0] : memref<512x32xf32, #tpu.memory_space<vmem>>, vector<512x32xf32>
    %get3A_2 = arith.constant 0 : index
    %get3A_3 = arith.constant 0 : index
    %get3A_4 = vector.load %arg2[%get3A_2, %get3A_3] : memref<32x8192xf32, #tpu.memory_space<vmem>>, vector<32x8192xf32>
    %mul3A = arith.mulf %get3A_4, %get3A_4 : vector<32x8192xf32>
    %reduce_sum3A = arith.constant dense<0.000000e+00> : vector<8192xf32>
    %reduce_sum3A_5 = vector.multi_reduction <add>, %mul3A, %reduce_sum3A [0] : vector<32x8192xf32> to vector<8192xf32>
    %broadcast_in_dim3A = vector.shape_cast %reduce_sum3A_5 : vector<8192xf32> to vector<1x8192xf32>
    %mul3A_6 = arith.mulf %get3A_1, %get3A_1 : vector<512x32xf32>
    %reduce_sum3A_7 = arith.constant dense<0.000000e+00> : vector<512xf32>
    %reduce_sum3A_8 = vector.multi_reduction <add>, %mul3A_6, %reduce_sum3A_7 [1] : vector<512x32xf32> to vector<512xf32>
    %broadcast_in_dim3A_9 = vector.shape_cast %reduce_sum3A_8 : vector<512xf32> to vector<512x1xf32>
    %convert_element_type3A = arith.truncf %get3A_1 : vector<512x32xf32> to vector<512x32xbf16>
    %dot_general3A = arith.constant dense<0.000000e+00> : vector<512x8192xf32>
    %dot_general3A_10 = tpu.matmul %convert_element_type3A, %get3A_4, %dot_general3A {dimension_numbers = #tpu.dot_dimension_numbers<[1], [0], [0], [1], [0, 0, 1, 1], [], []>, transpose_lhs_hint = false} : vector<512x32xbf16>, vector<32x8192xf32>, vector<512x8192xf32> -> vector<512x8192xf32>
    %add3A = vector.broadcast %broadcast_in_dim3A_9 : vector<512x1xf32> to vector<512x8192xf32>
    %add3A_11 = vector.broadcast %broadcast_in_dim3A : vector<1x8192xf32> to vector<512x8192xf32>
    %add3A_12 = arith.addf %add3A, %add3A_11 : vector<512x8192xf32>
    %mul3A_13 = arith.constant 2.000000e+00 : f32
    %mul3A_14 = vector.broadcast %mul3A_13 : f32 to vector<512x8192xf32>
    %mul3A_15 = arith.mulf %mul3A_14, %dot_general3A_10 : vector<512x8192xf32>
    %sub3A = arith.subf %add3A_12, %mul3A_15 : vector<512x8192xf32>
    %reduce_min3A = arith.constant dense<0x7F800000> : vector<512xf32>
    %reduce_min3A_16 = vector.multi_reduction <minimumf>, %sub3A, %reduce_min3A [1] : vector<512x8192xf32> to vector<512xf32>
    %broadcast_in_dim3A_17 = vector.shape_cast %reduce_min3A_16 : vector<512xf32> to vector<512x1xf32>
    %iota3A = tpu.iota {dimensions = array<i32: 1>} : vector<512x8192xi32>
    %eq3A = vector.broadcast %broadcast_in_dim3A_17 : vector<512x1xf32> to vector<512x8192xf32>
    %eq3A_18 = arith.cmpf oeq, %sub3A, %eq3A : vector<512x8192xf32>
    %jit3A = arith.constant 8192 : i32
    %broadcast_in_dim3A_19 = vector.broadcast %jit3A : i32 to vector<512x8192xi32>
    %select_n3A = arith.select %eq3A_18, %iota3A, %broadcast_in_dim3A_19 : vector<512x8192xi1>, vector<512x8192xi32>
    %reduce_min3A_20 = arith.constant dense<2147483647> : vector<512xi32>
    %reduce_min3A_21 = vector.multi_reduction <minsi>, %select_n3A, %reduce_min3A_20 [1] : vector<512x8192xi32> to vector<512xi32>
    %swap3A = arith.constant 0 : index
    %swap3A_22 = arith.constant 0 : index
    %swap3A_23 = arith.constant 0 : index
    %swap3A_24 = vector.load %arg3[%swap3A, %swap3A_22, %swap3A_23] : memref<1x1x512xi32, #tpu.memory_space<vmem>>, vector<1x1x512xi32>
    %swap3A_25 = vector.shape_cast %swap3A_24 : vector<1x1x512xi32> to vector<512xi32>
    %swap3A_26 = vector.shape_cast %reduce_min3A_21 : vector<512xi32> to vector<1x1x512xi32>
    tpu.vector_store %arg3[%swap3A, %swap3A_22, %swap3A_23], %swap3A_26 {strides = array<i32>} : memref<1x1x512xi32, #tpu.memory_space<vmem>>, vector<1x1x512xi32>,
    %eq3A_27 = arith.constant 0 : i32
    %eq3A_28 = arith.cmpi eq, %arg0, %eq3A_27 : i32
    %convert_element_type3A_29 = arith.extui %eq3A_28 : i1 to i32
    %cond3A = arith.constant 0 : i32
    %cond3A_30 = arith.cmpi ne, %convert_element_type3A_29, %cond3A : i32
    scf.if %cond3A_30 {
      %swap3A_45 = arith.constant 0.000000e+00 : f32
      %swap3A_46 = arith.constant 0 : index
      %swap3A_47 = arith.constant 0 : index
      %swap3A_48 = memref.load %arg4[%swap3A_46, %swap3A_47] : memref<1x1xf32, #tpu.memory_space<smem>>
      memref.store %swap3A_45, %arg4[%swap3A_46, %swap3A_47] : memref<1x1xf32, #tpu.memory_space<smem>>
    } else {
    }
    %get3A_31 = arith.constant 0 : index
    %get3A_32 = arith.constant 0 : index
    %get3A_33 = memref.load %arg4[%get3A_31, %get3A_32] : memref<1x1xf32, #tpu.memory_space<smem>>
    %reduce_sum3A_34 = vector.shape_cast %broadcast_in_dim3A_17 : vector<512x1xf32> to vector<1x512x1xf32>
    %reduce_sum3A_35 = arith.constant dense<0.000000e+00> : vector<1xf32>
    %reduce_sum3A_36 = vector.multi_reduction <add>, %reduce_sum3A_34, %reduce_sum3A_35 [1, 2] : vector<1x512x1xf32> to vector<1xf32>
    %reduce_sum3A_37 = vector.shape_cast %reduce_sum3A_36 : vector<1xf32> to vector<1x1x1xf32>
    %reduce_sum3A_38 = vector.extract %reduce_sum3A_37[0, 0, 0] : f32 from vector<1x1x1xf32>
    %mul3A_39 = arith.constant 9.53674316E-7 : f32
    %mul3A_40 = arith.mulf %reduce_sum3A_38, %mul3A_39 : f32
    %add3A_41 = arith.addf %get3A_33, %mul3A_40 : f32
    %swap3A_42 = arith.constant 0 : index
    %swap3A_43 = arith.constant 0 : index
    %swap3A_44 = memref.load %arg4[%swap3A_42, %swap3A_43] : memref<1x1xf32, #tpu.memory_space<smem>>
    memref.store %add3A_41, %arg4[%swap3A_42, %swap3A_43] : memref<1x1xf32, #tpu.memory_space<smem>>
    return
  }
  func.func @transform_0(%arg0: i32) -> (i32, i32) {
    %c0_i32 = arith.constant 0 : i32
    %c0_i32_0 = arith.constant 0 : i32
    return %arg0, %c0_i32 : i32, i32
  }
  func.func @transform_1(%arg0: i32) -> (i32, i32) {
    %c0_i32 = arith.constant 0 : i32
    %c0_i32_0 = arith.constant 0 : i32
    %c0_i32_1 = arith.constant 0 : i32
    return %c0_i32, %c0_i32_0 : i32, i32
  }
  func.func @transform_2(%arg0: i32) -> (i32, i32, i32) {
    %c0_i32 = arith.constant 0 : i32
    %c0_i32_0 = arith.constant 0 : i32
    %c0_i32_1 = arith.constant 0 : i32
    return %arg0, %c0_i32, %c0_i32_0 : i32, i32, i32
  }
  func.func @transform_3(%arg0: i32) -> (i32, i32) {
    %c0_i32 = arith.constant 0 : i32
    %c0_i32_0 = arith.constant 0 : i32
    %c0_i32_1 = arith.constant 0 : i32
    return %c0_i32, %c0_i32_0 : i32, i32
  }
}

</mosaic_0001>

<sc_bundles>
// kernel: kernel.4.cloned.1.call-start
scs
__scs_entry_jumppad:
0x0: {  	(pc) =	sbr.rel $0x88, $3  }
0x1: {  	(tag) =	ssettag $0x0;
	lr =	simm.s32 $0x1  }
0x2: {  	[smem:$0x3F9F] =	sst lr;
	_ =	strace $0xD0000000  }
0x3: {  	_ = 	snop  }
0x4: {  	_ = 	snop  }
0x5: {  	_ = 	snop  }
0x6: {  	_ = 	snop  }
0x7: {  	_ = 	snop  }
__scs_overlays_trampoline_lowered:
0x8: {  	[smem:$0x3FAE] =	sst s0  }
0x9: {  	[smem:$0x3FAF] =	sst s1  }
0xa: {  	[smem:$0x3FB0] =	sst s2  }
0xb: {  	[smem:$0x3FB1] =	sst s3  }
0xc: {  	[smem:$0x3FB2] =	sst s4  }
0xd: {  	[smem:$0x3FB3] =	sst s5  }
0xe: {  	[smem:$0x3FB4] =	sst s6  }
0xf: {  	[smem:$0x3FB5] =	sst s7  }
0x10: {  	[smem:$0x3FB6] =	sst s8  }
0x11: {  	[smem:$0x3FB7] =	sst s9;
	s0 =	simm.s32 @!p0 $0x0  }
0x12: {  	s1 =	sld [smem:$0x3F9D];
	s0 =	simm.s32 @p0 $0x1  }
0x13: {  	[smem:$0x3FB8] =	sst s0;
	s0 =	simm.s32 @!p1 $0x0  }
0x14: {  	s2 =	sld [smem:$0x3F9C];
	s0 =	simm.s32 @p1 $0x1  }
0x15: {  	[smem:$0x3FB9] =	sst s0;
	s0 =	simm.s32 @!p2 $0x0  }
0x16: {  	s3 =	sld [smem:$0x3FDB];
	s0 =	simm.s32 @p2 $0x1  }
0x17: {  	s4 =	simm.s32 $0x1BF5;
	[smem:$0x3FBB] =	sst s0  }
0x18: {  	s0 =	sld [smem:$0x3F9E];
	_ =	swait.ge [sflag:s4], $0x0  }
0x19: {  	s7 =	sld [smem:$0x3F9F]  }
0x1a: {  	s8 =	sadd.s32 $0xFFFFE003, lr  }
0x1b: {  	s9 =	sadd.s32 $0xFFFFFEF7, lr;
	s5 =	simm.s32 $0xFFFFFFFF;
	p2 =	slt.u32 s8, $0xFFFFF086  }
0x1c: {  	p1 =	slt.u32 s9, $0xF7A;
	s5 =	simm.s32 @!p2 $0x0  }
0x1d: {  	s5 =	simm.s32 @p1 $0x1;
	p0 =	seq.s32 s7, s2  }
0x1e: {  	s7 =	smul.u32 @!p0 $0xF7A, s2;
	p2 =	seq.s32 @!p0 s5, $0x0  }
0x1f: {  	s9 =	smul.u32 $0xF7A, s1;
	s8 =	simm.s32 @!p0 $0x1BF5;
	p2 =	por !p2, p0  }
0x20: {  	[sflag:s8] =	ssyncset.s32 @!p0 $0xFFFFF086;
	s6 =	sadd.s32 @!p0 s3, s7;
	s7 =	simm.s32 @!p0 $0x108  }
0x21: {  	s3 =	sadd.s32 s3, s9;
	s6 =	sadd.s32 @!p0 $0x88, s6;
	s7 =	simm.s32 @p2 $0x1082  }
0x22: {  	[simem:s7], [sflag:s8] =	dma.local @!p0 [hbm:s6], $0xF7A  }
0x23: {  	s9 =	sor.u32 $0xD0000000, s2;
	s6 =	simm.s32 $0x108;
	_ =	swait.ge @!p0 [sflag:s8], $0x0  }
0x24: {  	s3 =	sadd.s32 $0x88, s3;
	s6 =	simm.s32 @!p1 $0x1082;
	[sflag:s4] =	ssyncset.s32 $0xFFFFF086  }
0x25: {  	[simem:s6], [sflag:s4] =	dma.local [hbm:s3], $0xF7A  }
0x26: {  	[smem:$0x3F9F] =	sst s1;
	(tag) =	ssettag s2;
	_ =	strace s9  }
0x27: {  	s1 =	sld [smem:$0x3FAF]  }
0x28: {  	s2 =	sld [smem:$0x3FB0]  }
0x29: {  	s4 =	sld [smem:$0x3FB2]  }
0x2a: {  	p0 =	seq.s32 s5, $0x0;
	s5 =	sld [smem:$0x3FB3]  }
0x2b: {  	s6 =	sld [smem:$0x3FB4]  }
0x2c: {  	s7 =	sld [smem:$0x3FB5]  }
0x2d: {  	s3 =	simm.s32 $0x108;
	s8 =	sld [smem:$0x3FB6]  }
0x2e: {  	s3 =	simm.s32 @!p0 $0x1082;
	s9 =	sld [smem:$0x3FB7]  }
0x2f: {  	lr =	sadd.s32 s0, s3;
	s0 =	sld [smem:$0x3FAE]  }
0x30: {  	s3 =	sld [smem:$0x3FB1]  }
0x31: {  	[smem:$0x3FBA] =	sst s10  }
0x32: {  	s10 =	sld [smem:$0x3FB8];
	_ =	sdelay $0x3  }
0x33: {  	p0 =	seq.s32 s10, $0x1;
	s10 =	sld [smem:$0x3FBA];
	_ =	sdelay $0x3  }
0x34: {  	[smem:$0x3FBA] =	sst s10  }
0x35: {  	s10 =	sld [smem:$0x3FB9];
	_ =	sdelay $0x3  }
0x36: {  	p1 =	seq.s32 s10, $0x1;
	s10 =	sld [smem:$0x3FBA];
	_ =	sdelay $0x3  }
0x37: {  	[smem:$0x3FBA] =	sst s10  }
0x38: {  	s10 =	sld [smem:$0x3FBB]  }
0x39: {  	_ = 	snop;
	(pc) =	sbr.ind lr, $3  }
0x3a: {  	_ = 	snop  }
0x3b: {  	_ = 	snop  }
0x3c: {  	p2 =	seq.s32 s10, $0x1;
	s10 =	sld [smem:$0x3FBA]  }
0x3d: {  	_ =	shalt  }
0x3e: {  	_ =	shalt  }
0x3f: {  	_ =	shalt  }
0x40: {  	_ =	shalt  }
0x41: {  	_ =	shalt  }
0x42: {  	_ =	shalt  }
0x43: {  	_ =	shalt  }
0x44: {  	_ =	shalt  }
0x45: {  	_ =	shalt  }
0x46: {  	_ =	shalt  }
0x47: {  	_ =	shalt  }
0x48: {  	_ =	shalt  }
0x49: {  	_ =	shalt  }
0x4a: {  	_ =	shalt  }
0x4b: {  	_ =	shalt  }
0x4c: {  	_ =	shalt  }
0x4d: {  	_ =	shalt  }
0x4e: {  	_ =	shalt  }
0x4f: {  	_ =	shalt  }
0x50: {  	_ =	shalt  }
0x51: {  	_ =	shalt  }
0x52: {  	_ =	shalt  }
0x53: {  	_ =	shalt  }
0x54: {  	_ =	shalt  }
0x55: {  	_ =	shalt  }
0x56: {  	_ =	shalt  }
0x57: {  	_ =	shalt  }
0x58: {  	_ =	shalt  }
0x59: {  	_ =	shalt  }
0x5a: {  	_ =	shalt  }
0x5b: {  	_ =	shalt  }
0x5c: {  	_ =	shalt  }
0x5d: {  	_ =	shalt  }
0x5e: {  	_ =	shalt  }
0x5f: {  	_ =	shalt  }
0x60: {  	_ =	shalt  }
0x61: {  	_ =	shalt  }
0x62: {  	_ =	shalt  }
0x63: {  	_ =	shalt  }
0x64: {  	_ =	shalt  }
0x65: {  	_ =	shalt  }
0x66: {  	_ =	shalt  }
0x67: {  	_ =	shalt  }
0x68: {  	_ =	shalt  }
0x69: {  	_ =	shalt  }
0x6a: {  	_ =	shalt  }
0x6b: {  	_ =	shalt  }
0x6c: {  	_ =	shalt  }
0x6d: {  	_ =	shalt  }
0x6e: {  	_ =	shalt  }
0x6f: {  	_ =	shalt  }
0x70: {  	_ =	shalt  }
0x71: {  	_ =	shalt  }
0x72: {  	_ =	shalt  }
0x73: {  	_ =	shalt  }
0x74: {  	_ =	shalt  }
0x75: {  	_ =	shalt  }
0x76: {  	_ =	shalt  }
0x77: {  	_ =	shalt  }
0x78: {  	_ =	shalt  }
0x79: {  	_ =	shalt  }
0x7a: {  	_ =	shalt  }
0x7b: {  	_ =	shalt  }
0x7c: {  	_ =	shalt  }
0x7d: {  	_ =	shalt  }
0x7e: {  	_ =	shalt  }
0x7f: {  	_ =	shalt  }
0x80: {  	_ =	shalt  }
0x81: {  	_ =	shalt  }
0x82: {  	_ =	shalt  }
0x83: {  	_ =	shalt  }
0x84: {  	_ =	shalt  }
0x85: {  	_ =	shalt  }
0x86: {  	_ =	shalt  }
0x87: {  	_ =	shalt  }
.Lfunc_end0:
.L_simem_size_0:
called_computation_lowered:
.L_overlay_start_0:
0x88: {  	s2 =	sld [smem:$0x3FD9]  }
0x89: {  	s3 =	sld [smem:$0x3FFE];
	_ =	sdelay $0x1  }
0x8a: {  	s1 =	srdreg.scid  }
0x8b: {  	s0 =	sand.u32 $0x1, s1  }
0x8c: {  	s14 =	sshll.u32 s0, $0xA;
	s2 =	sadd.s32 s3, s2  }
0x8d: {  	s2 =	sadd.s32 s2, s14  }
0x8e: {  	[smem:$0x3FC6] =	sst s2  }
0x8f: {  	_ = 	snop  }
0x90: {  	s2 =	sld [smem:$0x3FD0];
	_ =	sdelay $0x2  }
0x91: {  	s15 =	simm.s32 $0xA;
	s4 =	simm.s32 $0x10  }
0x92: {  	[smem:s4], [sflag:s15] =	dma.local [hbm:s2], $0x1  }
0x93: {  	_ =	swait.eq [sflag:s15], $0x1  }
0x94: {  	[sflag:s15] =	ssyncset.done $0x0  }
0x95: {  	[sflag:s15] =	ssyncadd.s32 $0xFFFFFFFF  }
0x96: {  	s16 =	sld [smem:$0x10];
	(tm) =	ssettm $0x1  }
0x97: {  	s17 =	sld [smem:$0x3FFB];
	_ =	sdelay $0x3  }
0x98: {  	_ =	strace s17  }
0x99: {  	s3 =	sld [smem:$0x3FFC];
	_ =	sdelay $0x3  }
0x9a: {  	_ =	strace s3  }
0x9b: {  	s3 =	sld [smem:$0x3FFD];
	_ =	sdelay $0x3  }
0x9c: {  	_ =	strace s3  }
0x9d: {  	_ =	strace $0x8FFFFFFF  }
0x9e: {  	s18 =	sld [smem:$0x3FDB];
	_ =	sdelay $0x1  }
0x9f: {  	s19 =	simm.s32 $_scs_section_size  }
0xa0: {  	s5 =	simm.s32 $_size__tile_overlayer_lowered;
	s6 =	simm.s32 $_tile_overlayer_lowered  }
0xa1: {  	s22 =	simm.s32 $0x1BFF;
	s21 =	sshll.u32 s6, $0x1;
	s3 =	sadd.s32 s19, s18  }
0xa2: {  	s7 =	simm.s32 $0x0;
	s20 =	sshll.u32 s5, $0x1;
	s5 =	sadd.s32 s21, s3  }
0xa3: {  	[timem:s7], [sflag:s22] =	dma.local [hbm:s5], s20  }
0xa4: {  	_ =	swait.ge [sflag:s22], s20  }
0xa5: {  	s4 =	ssub.s32 $0x0, s20;
	[sflag:s22] =	ssyncset.done $0x0  }
0xa6: {  	[sflag:s22] =	ssyncadd.s32 s4;
	_ =	sdelay $0x1  }
0xa7: {  	s23 =	simm.s32 $0x1B8B  }
0xa8: {  	_ =	swait.ge [sflag:s23], $0x1  }
0xa9: {  	[sflag:s23] =	ssyncset.done $0x0  }
0xaa: {  	s25 =	simm.s32 $0x1B8E;
	s24 =	sld [smem:$0x3FFE];
	[sflag:s23] =	ssyncadd.s32 $0xFFFFFFFF  }
0xab: {  	s26 =	simm.s32 $execute0_lowered;
	[smem:$0x3FD2] =	sst s25  }
0xac: {  	s5 =	sshll.u32 s26, $0x1;
	_ =	strace $0x80000046;
	[dreg:$0x1] =	wrdreg $0xFFFFFFFF  }
0xad: {  	s28 =	simm.s32 $_size_execute0_lowered;
	s3 =	sadd.s32 s3, s5;
	[dreg:$0x0] =	wrdreg $0x0  }
0xae: {  	s5 =	sshll.u32 s28, $0x1;
	[dreg:$0x2] =	wrdreg s3  }
0xaf: {  	[dreg:$0x3] =	wrdreg s5  }
0xb0: {  	[dreg:$0x4] =	wrdreg $0xC0  }
0xb1: {  	_ =	task [dreg:s7], $0x5FFFF  }
0xb2: {  	[dreg:$0x1] =	wrdreg $0xFFFFFFFF  }
0xb3: {  	[dreg:$0x0] =	wrdreg $0x60  }
0xb4: {  	[dreg:$0x2] =	wrdreg s24  }
0xb5: {  	[dreg:$0x3] =	wrdreg s16  }
0xb6: {  	[dreg:$0x4] =	wrdreg $0x9  }
0xb7: {  	_ =	task.clear_ibuf [dreg:s7], $0x5FFFF;
	_ =	strace $0x90000046  }
0xb8: {  	s29 =	simm.s32 $0x9;
	_ =	strace $0x80000048  }
0xb9: {  	_ =	swait.ge [sflag:s29], $0x1  }
0xba: {  	[sflag:s29] =	ssyncadd.s32 $0xFFFFFFFF  }
0xbb: {  	_ =	strace $0x90000048  }
0xbc: {  	_ =	sfence  }
0xbd: {  	s30 =	sld [smem:$0x0];
	_ =	sdelay $0x2  }
0xbe: {  	s31 =	sshll.u32 s1, $0xD;
	s1 =	sshrl.u32 s1, $0x2  }
0xbf: {  	s3 =	sand.u32 $0x4000, s31;
	s1 =	sadd.s32 s1, s30  }
0xc0: {  	s0 =	sor.u32 s3, s0;
	s1 =	sshll.u32 s1, $0x11  }
0xc1: {  	s0 =	sor.u32 s1, s0  }
0xc2: {  	s0 =	sadd.s32 $0x8F2B, s0  }
0xc3: {  	[sflag:s0] =	ssyncadd.remote.s32 $0x1  }
0xc4: {  	_ =	sfence.sel $0xFFFF  }
0xc5: {  	[dreg:$0x0] =	wrdreg $0xFFFFFFFF;
	(pc) =	sbr.abs _section_cstart, $3  }
0xc6: {  	[dreg:$0x1] =	wrdreg $0xFFFFFFFF  }
0xc7: {  	_ =	task.clear_ibuf [dreg:s7], $0x2FFFF;
	_ =	strace $0x9FFFFFFF  }
0xc8: {  	(tm) =	ssettm $0x7FFFFFFF  }
0xc9: {  	_ =	shalt  }
tec
execute0_lowered:
.L_overlay_start_1:
0x0: {  	(tag) =	ssettag $0x1  }
0x1: {  	s1 =	srdreg.scid;
	s3 =	rddreg [dreg:$0x0]  }
0x2: {  	s0 =	stileid.u32;
	s4 =	rddreg [dreg:$0x1];
	s20 =	simm.s32 $0x1800  }
0x3: {  	s21 =	simm.s32 $0x100;
	s23 =	simm.s32 $0x2800;
	s24 =	simm.s32 $0x180  }
0x4: {  	s25 =	simm.s32 $0x3800;
	s26 =	simm.s32 $0x200;
	s7 =	simm.s32 $0x80  }
0x5: {  	s11 =	simm.s32 $0x300;
	s12 =	simm.s32 $0x6800;
	s13 =	simm.s32 $0x380  }
0x6: {  	s14 =	simm.s32 $0x7800;
	s15 =	simm.s32 $0x400;
	s16 =	simm.s32 $0x8800  }
0x7: {  	s17 =	simm.s32 $0x480;
	s18 =	simm.s32 $0x9800;
	s19 =	simm.s32 $0x500  }
0x8: {  	p0 =	por $0x0, $0x0;
	s1 =	sand.u32 $0x1, s1;
	s2 =	sshll.u32 s0, $0x1  }
0x9: {  	s28 =	simm.s32 $0x700;
	s5 =	sor.u32 s1, s2;
	s2 =	simm.s32 $0x0  }
0xa: {  	s29 =	simm.s32 $0xE800;
	s30 =	simm.s32 $0x780;
	[smem:$0x7FF] =	sst s2  }
0xb: {  	s31 =	simm.s32 $0xF800;
	_ =	strace $0x80000047;
	[dreg:$0x5] =	wrdreg s20  }
0xc: {  	s1 =	ssub.s32 $0x2, s1;
	s6 =	sshll.u32 s5, $0x8;
	[dreg:$0x6] =	wrdreg s21  }
0xd: {  	s5 =	sshll.u32 s5, $0xD;
	s22 =	sshrl.u32 s1, $0x1;
	[dreg:$0x7] =	wrdreg s23  }
0xe: {  	s6 =	sadd.s32 s6, s3;
	s1 =	ssub.s32 s1, s22;
	[dreg:$0x8] =	wrdreg s24  }
0xf: {  	s4 =	sadd.s32 s4, s5;
	[dreg:$0x9] =	wrdreg s25;
	s1 =	smax.u32 s1, $0x1  }
0x10: {  	[dreg:$0xa] =	wrdreg s26;
	s20 =	simm.s32 $0xA800;
	p1 =	sne.s32 s1, $0x1  }
.Ltmp0:
0x11: {  	s21 =	simm.s32 $0x580;
	s22 =	simm.s32 $0xB800;
	(pc) =	sbr.rel @!p1 .LBB2_3-.Ltmp0, $4  }
0x12: {  	s23 =	simm.s32 $0x600;
	s24 =	simm.s32 $0xC800;
	s25 =	simm.s32 $0x680  }
0x13: {  	s26 =	simm.s32 $0xD800;
	s6 =	sadd.s32 $0x8C00, s6;
	[dreg:$0x4] =	wrdreg s4  }
0x14: {  	s5 =	simm.s32 $0x1;
	s4 =	simm.s32 $0x800;
	[dreg:$0x3] =	wrdreg s6  }
0x15: {  	s6 =	sadd.s32 $0xC00, s3;
	s3 =	simm.s32 $0x2;
	s8 =	sadd.s32 $0xFFFFFFFF, s1  }
0x16: {  	s0 =	rddreg [dreg:$0x3]  }
0x17: {  	[tilespmem:s2], [sflag:$0x2] =	stream.linear.gather [hbm4b:s0+s2], $0x800, $0x38;
	[tilespmem:$0x10800] =	vst v63  }
0x18: {  	_ =	swait.ge [sflag:s3], $0x800  }
0x19: {  	s10 =	rddreg [dreg:$0x6]  }
0x1a: {  	s1 =	rddreg [dreg:$0x5]  }
0x1b: {  	s0 =	rddreg [dreg:$0x7]  }
0x1c: {  	[sflag:s3] =	ssyncset.done $0x0;
	[dreg:$0xb] =	wrdreg s10  }
0x1d: {  	[sflag:s3] =	ssyncadd.s32 $0xFFFFF800;
	s10 =	rddreg [dreg:$0x9]  }
0x1e: {  	[tilespmem:s4], [sflag:$0x1] =	stream.indirect.gather [hbm4b:s6+s7], $0x20, s2, s7, $0xb8;
	[tilespmem:$0x10800] =	vst v63  }
0x1f: {  	[dreg:$0xc] =	wrdreg s10  }
0x20: {  	s10 =	rddreg [dreg:$0xb]  }
0x21: {  	[tilespmem:s1], [sflag:$0x1] =	stream.indirect.gather [hbm4b:s6+s7], $0x20, s7, s7, $0xb8;
	[tilespmem:$0x10800] =	vst v63  }
0x22: {  	s1 =	rddreg [dreg:$0x8]  }
0x23: {  	[tilespmem:s0], [sflag:$0x1] =	stream.indirect.gather [hbm4b:s6+s7], $0x20, s10, s7, $0xb8;
	[tilespmem:$0x10800] =	vst v63  }
0x24: {  	s10 =	rddreg [dreg:$0xc]  }
0x25: {  	[tilespmem:s10], [sflag:$0x1] =	stream.indirect.gather [hbm4b:s6+s7], $0x20, s1, s7, $0xb8;
	[tilespmem:$0x10800] =	vst v63  }
0x26: {  	s9 =	simm.s32 $0x4800;
	s0 =	rddreg [dreg:$0xa]  }
0x27: {  	[tilespmem:s9], [sflag:$0x1] =	stream.indirect.gather [hbm4b:s6+s7], $0x20, s0, s7, $0xb8;
	[tilespmem:$0x10800] =	vst v63  }
0x28: {  	s1 =	simm.s32 $0x280;
	s9 =	simm.s32 $0x5800  }
0x29: {  	[tilespmem:s9], [sflag:$0x1] =	stream.indirect.gather [hbm4b:s6+s7], $0x20, s1, s7, $0xb8;
	[tilespmem:$0x10800] =	vst v63  }
0x2a: {  	_ = 	snop  }
0x2b: {  	[tilespmem:s12], [sflag:$0x1] =	stream.indirect.gather [hbm4b:s6+s7], $0x20, s11, s7, $0xb8;
	[tilespmem:$0x10800] =	vst v63  }
0x2c: {  	_ = 	snop  }
0x2d: {  	[tilespmem:s14], [sflag:$0x1] =	stream.indirect.gather [hbm4b:s6+s7], $0x20, s13, s7, $0xb8;
	[tilespmem:$0x10800] =	vst v63  }
0x2e: {  	_ = 	snop  }
0x2f: {  	[tilespmem:s16], [sflag:$0x1] =	stream.indirect.gather [hbm4b:s6+s7], $0x20, s15, s7, $0xb8;
	[tilespmem:$0x10800] =	vst v63  }
0x30: {  	_ = 	snop  }
0x31: {  	[tilespmem:s18], [sflag:$0x1] =	stream.indirect.gather [hbm4b:s6+s7], $0x20, s17, s7, $0xb8;
	[tilespmem:$0x10800] =	vst v63  }
0x32: {  	_ = 	snop  }
0x33: {  	[tilespmem:s20], [sflag:$0x1] =	stream.indirect.gather [hbm4b:s6+s7], $0x20, s19, s7, $0xb8;
	[tilespmem:$0x10800] =	vst v63  }
0x34: {  	_ = 	snop  }
0x35: {  	[tilespmem:s22], [sflag:$0x1] =	stream.indirect.gather [hbm4b:s6+s7], $0x20, s21, s7, $0xb8;
	[tilespmem:$0x10800] =	vst v63  }
0x36: {  	_ = 	snop  }
0x37: {  	[tilespmem:s24], [sflag:$0x1] =	stream.indirect.gather [hbm4b:s6+s7], $0x20, s23, s7, $0xb8;
	[tilespmem:$0x10800] =	vst v63  }
0x38: {  	_ = 	snop  }
0x39: {  	[tilespmem:s26], [sflag:$0x1] =	stream.indirect.gather [hbm4b:s6+s7], $0x20, s25, s7, $0xb8;
	[tilespmem:$0x10800] =	vst v63  }
0x3a: {  	_ = 	snop  }
0x3b: {  	[tilespmem:s29], [sflag:$0x1] =	stream.indirect.gather [hbm4b:s6+s7], $0x20, s28, s7, $0xb8;
	[tilespmem:$0x10800] =	vst v63  }
0x3c: {  	_ = 	snop  }
0x3d: {  	[tilespmem:s31], [sflag:$0x1] =	stream.indirect.gather [hbm4b:s6+s7], $0x20, s30, s7, $0xb8;
	[tilespmem:$0x10800] =	vst v63  }
0x3e: {  	_ =	swait.ge [sflag:s5], $0x1000  }
0x3f: {  	[sflag:s5] =	ssyncset.done $0x0  }
0x40: {  	[sflag:s5] =	ssyncadd.s32 $0xFFFFF000  }
0x41: {  	_ =	swait.ge [sflag:s5], $0x1000  }
0x42: {  	[sflag:s5] =	ssyncset.done $0x0  }
0x43: {  	[sflag:s5] =	ssyncadd.s32 $0xFFFFF000  }
0x44: {  	_ =	swait.ge [sflag:s5], $0x1000  }
0x45: {  	[sflag:s5] =	ssyncset.done $0x0  }
0x46: {  	[sflag:s5] =	ssyncadd.s32 $0xFFFFF000  }
0x47: {  	_ =	swait.ge [sflag:s5], $0x1000  }
0x48: {  	[sflag:s5] =	ssyncset.done $0x0  }
0x49: {  	[sflag:s5] =	ssyncadd.s32 $0xFFFFF000  }
0x4a: {  	_ =	swait.ge [sflag:s5], $0x1000  }
0x4b: {  	[sflag:s5] =	ssyncset.done $0x0  }
0x4c: {  	[sflag:s5] =	ssyncadd.s32 $0xFFFFF000  }
0x4d: {  	_ =	swait.ge [sflag:s5], $0x1000  }
0x4e: {  	[sflag:s5] =	ssyncset.done $0x0  }
0x4f: {  	[sflag:s5] =	ssyncadd.s32 $0xFFFFF000  }
0x50: {  	_ =	swait.ge [sflag:s5], $0x1000  }
0x51: {  	[sflag:s5] =	ssyncset.done $0x0  }
0x52: {  	[sflag:s5] =	ssyncadd.s32 $0xFFFFF000  }
0x53: {  	_ =	swait.ge [sflag:s5], $0x1000  }
0x54: {  	[sflag:s5] =	ssyncset.done $0x0  }
0x55: {  	[sflag:s5] =	ssyncadd.s32 $0xFFFFF000  }
0x56: {  	_ =	swait.ge [sflag:s5], $0x1000  }
0x57: {  	[sflag:s5] =	ssyncset.done $0x0  }
0x58: {  	[sflag:s5] =	ssyncadd.s32 $0xFFFFF000  }
0x59: {  	_ =	swait.ge [sflag:s5], $0x1000  }
0x5a: {  	[sflag:s5] =	ssyncset.done $0x0  }
0x5b: {  	[sflag:s5] =	ssyncadd.s32 $0xFFFFF000  }
0x5c: {  	_ =	swait.ge [sflag:s5], $0x1000  }
0x5d: {  	[sflag:s5] =	ssyncset.done $0x0  }
0x5e: {  	[sflag:s5] =	ssyncadd.s32 $0xFFFFF000  }
0x5f: {  	_ =	swait.ge [sflag:s5], $0x1000  }
0x60: {  	[sflag:s5] =	ssyncset.done $0x0  }
0x61: {  	[sflag:s5] =	ssyncadd.s32 $0xFFFFF000  }
0x62: {  	_ =	swait.ge [sflag:s5], $0x1000  }
0x63: {  	[sflag:s5] =	ssyncset.done $0x0  }
0x64: {  	[sflag:s5] =	ssyncadd.s32 $0xFFFFF000  }
0x65: {  	_ =	swait.ge [sflag:s5], $0x1000  }
0x66: {  	[sflag:s5] =	ssyncset.done $0x0  }
0x67: {  	[sflag:s5] =	ssyncadd.s32 $0xFFFFF000  }
0x68: {  	_ =	swait.ge [sflag:s5], $0x1000  }
0x69: {  	p1 =	sne.s32 s8, $0x1;
	[sflag:s5] =	ssyncset.done $0x0  }
.Ltmp1:
0x6a: {  	[sflag:s5] =	ssyncadd.s32 $0xFFFFF000;
	(pc) =	sbr.rel @!p1 .LBB2_3-.Ltmp1, $4  }
0x6b: {  	_ =	swait.ge [sflag:s5], $0x1000  }
0x6c: {  	p0 =	por $0x1, $0x1;
	[sflag:s5] =	ssyncset.done $0x0  }
0x6d: {  	s1 =	sadd.s32 $0xFFFFFFFF, s8;
	s10 =	rddreg [dreg:$0x4];
	[sflag:s5] =	ssyncadd.s32 $0xFFFFF000  }
0x6e: {  	[hbm4b:s10+s2] =	stream.linear.scatter [tilespmem:s4], [sflag:$0x2], $0x10000, $0x38;
	[tilespmem:$0x10800] =	vst v63  }
.LBB2_2:
0x6f: {  	_ =	swait.ge [sflag:s3], $0x10000  }
0x70: {  	[sflag:s3] =	ssyncset.done $0x0  }
0x71: {  	s0 =	rddreg [dreg:$0x3];
	[sflag:s3] =	ssyncadd.s32 $0xFFFF0000  }
0x72: {  	[tilespmem:s2], [sflag:$0x2] =	stream.linear.gather [hbm4b:s0+s2], $0x800, $0x38;
	[tilespmem:$0x10800] =	vst v63  }
0x73: {  	_ =	swait.ge [sflag:s3], $0x800  }
0x74: {  	s0 =	rddreg [dreg:$0x6];
	[sflag:s3] =	ssyncset.done $0x0  }
0x75: {  	s8 =	rddreg [dreg:$0x5];
	[sflag:s3] =	ssyncadd.s32 $0xFFFFF800  }
0x76: {  	[tilespmem:s4], [sflag:$0x1] =	stream.indirect.gather [hbm4b:s6+s7], $0x20, s2, s7, $0xb8;
	[tilespmem:$0x10800] =	vst v63  }
0x77: {  	s9 =	rddreg [dreg:$0x7]  }
0x78: {  	[tilespmem:s8], [sflag:$0x1] =	stream.indirect.gather [hbm4b:s6+s7], $0x20, s7, s7, $0xb8;
	[tilespmem:$0x10800] =	vst v63  }
0x79: {  	s10 =	rddreg [dreg:$0x9]  }
0x7a: {  	[tilespmem:s9], [sflag:$0x1] =	stream.indirect.gather [hbm4b:s6+s7], $0x20, s0, s7, $0xb8;
	[tilespmem:$0x10800] =	vst v63  }
0x7b: {  	s8 =	rddreg [dreg:$0x8]  }
0x7c: {  	[tilespmem:s10], [sflag:$0x1] =	stream.indirect.gather [hbm4b:s6+s7], $0x20, s8, s7, $0xb8;
	[tilespmem:$0x10800] =	vst v63  }
0x7d: {  	s0 =	rddreg [dreg:$0xa];
	s8 =	simm.s32 $0x4800  }
0x7e: {  	[tilespmem:s8], [sflag:$0x1] =	stream.indirect.gather [hbm4b:s6+s7], $0x20, s0, s7, $0xb8;
	[tilespmem:$0x10800] =	vst v63  }
0x7f: {  	s9 =	simm.s32 $0x280;
	s10 =	simm.s32 $0x5800  }
0x80: {  	[tilespmem:s10], [sflag:$0x1] =	stream.indirect.gather [hbm4b:s6+s7], $0x20, s9, s7, $0xb8;
	[tilespmem:$0x10800] =	vst v63  }
0x81: {  	_ = 	snop  }
0x82: {  	[tilespmem:s12], [sflag:$0x1] =	stream.indirect.gather [hbm4b:s6+s7], $0x20, s11, s7, $0xb8;
	[tilespmem:$0x10800] =	vst v63  }
0x83: {  	_ = 	snop  }
0x84: {  	[tilespmem:s14], [sflag:$0x1] =	stream.indirect.gather [hbm4b:s6+s7], $0x20, s13, s7, $0xb8;
	[tilespmem:$0x10800] =	vst v63  }
0x85: {  	_ = 	snop  }
0x86: {  	[tilespmem:s16], [sflag:$0x1] =	stream.indirect.gather [hbm4b:s6+s7], $0x20, s15, s7, $0xb8;
	[tilespmem:$0x10800] =	vst v63  }
0x87: {  	_ = 	snop  }
0x88: {  	[tilespmem:s18], [sflag:$0x1] =	stream.indirect.gather [hbm4b:s6+s7], $0x20, s17, s7, $0xb8;
	[tilespmem:$0x10800] =	vst v63  }
0x89: {  	_ = 	snop  }
0x8a: {  	[tilespmem:s20], [sflag:$0x1] =	stream.indirect.gather [hbm4b:s6+s7], $0x20, s19, s7, $0xb8;
	[tilespmem:$0x10800] =	vst v63  }
0x8b: {  	_ = 	snop  }
0x8c: {  	[tilespmem:s22], [sflag:$0x1] =	stream.indirect.gather [hbm4b:s6+s7], $0x20, s21, s7, $0xb8;
	[tilespmem:$0x10800] =	vst v63  }
0x8d: {  	_ = 	snop  }
0x8e: {  	[tilespmem:s24], [sflag:$0x1] =	stream.indirect.gather [hbm4b:s6+s7], $0x20, s23, s7, $0xb8;
	[tilespmem:$0x10800] =	vst v63  }
0x8f: {  	_ = 	snop  }
0x90: {  	[tilespmem:s26], [sflag:$0x1] =	stream.indirect.gather [hbm4b:s6+s7], $0x20, s25, s7, $0xb8;
	[tilespmem:$0x10800] =	vst v63  }
0x91: {  	_ = 	snop  }
0x92: {  	[tilespmem:s29], [sflag:$0x1] =	stream.indirect.gather [hbm4b:s6+s7], $0x20, s28, s7, $0xb8;
	[tilespmem:$0x10800] =	vst v63  }
0x93: {  	_ = 	snop  }
0x94: {  	[tilespmem:s31], [sflag:$0x1] =	stream.indirect.gather [hbm4b:s6+s7], $0x20, s30, s7, $0xb8;
	[tilespmem:$0x10800] =	vst v63  }
0x95: {  	_ =	swait.ge [sflag:s5], $0x1000  }
0x96: {  	[sflag:s5] =	ssyncset.done $0x0  }
0x97: {  	[sflag:s5] =	ssyncadd.s32 $0xFFFFF000  }
0x98: {  	_ =	swait.ge [sflag:s5], $0x1000  }
0x99: {  	[sflag:s5] =	ssyncset.done $0x0  }
0x9a: {  	[sflag:s5] =	ssyncadd.s32 $0xFFFFF000  }
0x9b: {  	_ =	swait.ge [sflag:s5], $0x1000  }
0x9c: {  	[sflag:s5] =	ssyncset.done $0x0  }
0x9d: {  	[sflag:s5] =	ssyncadd.s32 $0xFFFFF000  }
0x9e: {  	_ =	swait.ge [sflag:s5], $0x1000  }
0x9f: {  	[sflag:s5] =	ssyncset.done $0x0  }
0xa0: {  	[sflag:s5] =	ssyncadd.s32 $0xFFFFF000  }
0xa1: {  	_ =	swait.ge [sflag:s5], $0x1000  }
0xa2: {  	[sflag:s5] =	ssyncset.done $0x0  }
0xa3: {  	[sflag:s5] =	ssyncadd.s32 $0xFFFFF000  }
0xa4: {  	_ =	swait.ge [sflag:s5], $0x1000  }
0xa5: {  	[sflag:s5] =	ssyncset.done $0x0  }
0xa6: {  	[sflag:s5] =	ssyncadd.s32 $0xFFFFF000  }
0xa7: {  	_ =	swait.ge [sflag:s5], $0x1000  }
0xa8: {  	[sflag:s5] =	ssyncset.done $0x0  }
0xa9: {  	[sflag:s5] =	ssyncadd.s32 $0xFFFFF000  }
0xaa: {  	_ =	swait.ge [sflag:s5], $0x1000  }
0xab: {  	[sflag:s5] =	ssyncset.done $0x0  }
0xac: {  	[sflag:s5] =	ssyncadd.s32 $0xFFFFF000  }
0xad: {  	_ =	swait.ge [sflag:s5], $0x1000  }
0xae: {  	[sflag:s5] =	ssyncset.done $0x0  }
0xaf: {  	[sflag:s5] =	ssyncadd.s32 $0xFFFFF000  }
0xb0: {  	_ =	swait.ge [sflag:s5], $0x1000  }
0xb1: {  	[sflag:s5] =	ssyncset.done $0x0  }
0xb2: {  	[sflag:s5] =	ssyncadd.s32 $0xFFFFF000  }
0xb3: {  	_ =	swait.ge [sflag:s5], $0x1000  }
0xb4: {  	[sflag:s5] =	ssyncset.done $0x0  }
0xb5: {  	[sflag:s5] =	ssyncadd.s32 $0xFFFFF000  }
0xb6: {  	_ =	swait.ge [sflag:s5], $0x1000  }
0xb7: {  	[sflag:s5] =	ssyncset.done $0x0  }
0xb8: {  	[sflag:s5] =	ssyncadd.s32 $0xFFFFF000  }
0xb9: {  	_ =	swait.ge [sflag:s5], $0x1000  }
0xba: {  	[sflag:s5] =	ssyncset.done $0x0  }
0xbb: {  	[sflag:s5] =	ssyncadd.s32 $0xFFFFF000  }
0xbc: {  	_ =	swait.ge [sflag:s5], $0x1000  }
0xbd: {  	[sflag:s5] =	ssyncset.done $0x0  }
0xbe: {  	[sflag:s5] =	ssyncadd.s32 $0xFFFFF000  }
0xbf: {  	_ =	swait.ge [sflag:s5], $0x1000  }
0xc0: {  	p1 =	sne.s32 s1, $0x1;
	[sflag:s5] =	ssyncset.done $0x0  }
.Ltmp2:
0xc1: {  	[sflag:s5] =	ssyncadd.s32 $0xFFFFF000;
	(pc) =	sbr.rel @p1 .LBB2_2-.Ltmp2, $4  }
0xc2: {  	_ =	swait.ge [sflag:s5], $0x1000  }
0xc3: {  	[sflag:s5] =	ssyncset.done $0x0  }
0xc4: {  	s1 =	sadd.s32 $0xFFFFFFFF, s1;
	s10 =	rddreg [dreg:$0x4];
	[sflag:s5] =	ssyncadd.s32 $0xFFFFF000  }
0xc5: {  	[hbm4b:s10+s2] =	stream.linear.scatter [tilespmem:s4], [sflag:$0x2], $0x10000, $0x38;
	[tilespmem:$0x10800] =	vst v63  }
.LBB2_3:
0xc6: {  	_ =	swait.ge @p0 [sflag:s3], $0x10000  }
0xc7: {  	[sflag:s3] =	ssyncset.done @p0 $0x0  }
0xc8: {  	s0 =	rddreg [dreg:$0x3];
	[sflag:s3] =	ssyncadd.s32 @p0 $0xFFFF0000  }
0xc9: {  	[tilespmem:s2], [sflag:$0x2] =	stream.linear.gather [hbm4b:s0+s2], $0x800, $0x38;
	[tilespmem:$0x10800] =	vst v63  }
0xca: {  	_ =	swait.ge [sflag:s3], $0x800  }
0xcb: {  	[sflag:s3] =	ssyncset.done $0x0;
	s10 =	rddreg [dreg:$0x5]  }
0xcc: {  	s0 =	rddreg [dreg:$0x6];
	[sflag:s3] =	ssyncadd.s32 $0xFFFFF800  }
0xcd: {  	[tilespmem:s4], [sflag:$0x1] =	stream.indirect.gather [hbm4b:s6+s7], $0x20, s2, s7, $0xb8;
	[tilespmem:$0x10800] =	vst v63  }
0xce: {  	s1 =	rddreg [dreg:$0x7]  }
0xcf: {  	[tilespmem:s10], [sflag:$0x1] =	stream.indirect.gather [hbm4b:s6+s7], $0x20, s7, s7, $0xb8;
	[tilespmem:$0x10800] =	vst v63  }
0xd0: {  	s8 =	rddreg [dreg:$0x9]  }
0xd1: {  	[tilespmem:s1], [sflag:$0x1] =	stream.indirect.gather [hbm4b:s6+s7], $0x20, s0, s7, $0xb8;
	[tilespmem:$0x10800] =	vst v63  }
0xd2: {  	s9 =	rddreg [dreg:$0x8]  }
0xd3: {  	[tilespmem:s8], [sflag:$0x1] =	stream.indirect.gather [hbm4b:s6+s7], $0x20, s9, s7, $0xb8;
	[tilespmem:$0x10800] =	vst v63  }
0xd4: {  	s10 =	simm.s32 $0x4800;
	s1 =	rddreg [dreg:$0xa]  }
0xd5: {  	[tilespmem:s10], [sflag:$0x1] =	stream.indirect.gather [hbm4b:s6+s7], $0x20, s1, s7, $0xb8;
	[tilespmem:$0x10800] =	vst v63  }
0xd6: {  	s9 =	simm.s32 $0x5800;
	s10 =	simm.s32 $0x280  }
0xd7: {  	[tilespmem:s9], [sflag:$0x1] =	stream.indirect.gather [hbm4b:s6+s7], $0x20, s10, s7, $0xb8;
	[tilespmem:$0x10800] =	vst v63  }
0xd8: {  	_ = 	snop  }
0xd9: {  	[tilespmem:s12], [sflag:$0x1] =	stream.indirect.gather [hbm4b:s6+s7], $0x20, s11, s7, $0xb8;
	[tilespmem:$0x10800] =	vst v63  }
0xda: {  	_ = 	snop  }
0xdb: {  	[tilespmem:s14], [sflag:$0x1] =	stream.indirect.gather [hbm4b:s6+s7], $0x20, s13, s7, $0xb8;
	[tilespmem:$0x10800] =	vst v63  }
0xdc: {  	_ = 	snop  }
0xdd: {  	[tilespmem:s16], [sflag:$0x1] =	stream.indirect.gather [hbm4b:s6+s7], $0x20, s15, s7, $0xb8;
	[tilespmem:$0x10800] =	vst v63  }
0xde: {  	_ = 	snop  }
0xdf: {  	[tilespmem:s18], [sflag:$0x1] =	stream.indirect.gather [hbm4b:s6+s7], $0x20, s17, s7, $0xb8;
	[tilespmem:$0x10800] =	vst v63  }
0xe0: {  	_ = 	snop  }
0xe1: {  	[tilespmem:s20], [sflag:$0x1] =	stream.indirect.gather [hbm4b:s6+s7], $0x20, s19, s7, $0xb8;
	[tilespmem:$0x10800] =	vst v63  }
0xe2: {  	_ = 	snop  }
0xe3: {  	[tilespmem:s22], [sflag:$0x1] =	stream.indirect.gather [hbm4b:s6+s7], $0x20, s21, s7, $0xb8;
	[tilespmem:$0x10800] =	vst v63  }
0xe4: {  	_ = 	snop  }
0xe5: {  	[tilespmem:s24], [sflag:$0x1] =	stream.indirect.gather [hbm4b:s6+s7], $0x20, s23, s7, $0xb8;
	[tilespmem:$0x10800] =	vst v63  }
0xe6: {  	_ = 	snop  }
0xe7: {  	[tilespmem:s26], [sflag:$0x1] =	stream.indirect.gather [hbm4b:s6+s7], $0x20, s25, s7, $0xb8;
	[tilespmem:$0x10800] =	vst v63  }
0xe8: {  	_ = 	snop  }
0xe9: {  	[tilespmem:s29], [sflag:$0x1] =	stream.indirect.gather [hbm4b:s6+s7], $0x20, s28, s7, $0xb8;
	[tilespmem:$0x10800] =	vst v63  }
0xea: {  	_ = 	snop  }
0xeb: {  	[tilespmem:s31], [sflag:$0x1] =	stream.indirect.gather [hbm4b:s6+s7], $0x20, s30, s7, $0xb8;
	[tilespmem:$0x10800] =	vst v63  }
0xec: {  	_ =	swait.ge [sflag:s5], $0x1000  }
0xed: {  	[sflag:s5] =	ssyncset.done $0x0  }
0xee: {  	[sflag:s5] =	ssyncadd.s32 $0xFFFFF000  }
0xef: {  	_ =	swait.ge [sflag:s5], $0x1000  }
0xf0: {  	[sflag:s5] =	ssyncset.done $0x0  }
0xf1: {  	[sflag:s5] =	ssyncadd.s32 $0xFFFFF000  }
0xf2: {  	_ =	swait.ge [sflag:s5], $0x1000  }
0xf3: {  	[sflag:s5] =	ssyncset.done $0x0  }
0xf4: {  	[sflag:s5] =	ssyncadd.s32 $0xFFFFF000  }
0xf5: {  	_ =	swait.ge [sflag:s5], $0x1000  }
0xf6: {  	[sflag:s5] =	ssyncset.done $0x0  }
0xf7: {  	[sflag:s5] =	ssyncadd.s32 $0xFFFFF000  }
0xf8: {  	_ =	swait.ge [sflag:s5], $0x1000  }
0xf9: {  	[sflag:s5] =	ssyncset.done $0x0  }
0xfa: {  	[sflag:s5] =	ssyncadd.s32 $0xFFFFF000  }
0xfb: {  	_ =	swait.ge [sflag:s5], $0x1000  }
0xfc: {  	[sflag:s5] =	ssyncset.done $0x0  }
0xfd: {  	[sflag:s5] =	ssyncadd.s32 $0xFFFFF000  }
0xfe: {  	_ =	swait.ge [sflag:s5], $0x1000  }
0xff: {  	[sflag:s5] =	ssyncset.done $0x0  }
0x100: {  	[sflag:s5] =	ssyncadd.s32 $0xFFFFF000  }
0x101: {  	_ =	swait.ge [sflag:s5], $0x1000  }
0x102: {  	[sflag:s5] =	ssyncset.done $0x0  }
0x103: {  	[sflag:s5] =	ssyncadd.s32 $0xFFFFF000  }
0x104: {  	_ =	swait.ge [sflag:s5], $0x1000  }
0x105: {  	[sflag:s5] =	ssyncset.done $0x0  }
0x106: {  	[sflag:s5] =	ssyncadd.s32 $0xFFFFF000  }
0x107: {  	_ =	swait.ge [sflag:s5], $0x1000  }
0x108: {  	[sflag:s5] =	ssyncset.done $0x0  }
0x109: {  	[sflag:s5] =	ssyncadd.s32 $0xFFFFF000  }
0x10a: {  	_ =	swait.ge [sflag:s5], $0x1000  }
0x10b: {  	[sflag:s5] =	ssyncset.done $0x0  }
0x10c: {  	[sflag:s5] =	ssyncadd.s32 $0xFFFFF000  }
0x10d: {  	_ =	swait.ge [sflag:s5], $0x1000  }
0x10e: {  	[sflag:s5] =	ssyncset.done $0x0  }
0x10f: {  	[sflag:s5] =	ssyncadd.s32 $0xFFFFF000  }
0x110: {  	_ =	swait.ge [sflag:s5], $0x1000  }
0x111: {  	[sflag:s5] =	ssyncset.done $0x0  }
0x112: {  	[sflag:s5] =	ssyncadd.s32 $0xFFFFF000  }
0x113: {  	_ =	swait.ge [sflag:s5], $0x1000  }
0x114: {  	[sflag:s5] =	ssyncset.done $0x0  }
0x115: {  	[sflag:s5] =	ssyncadd.s32 $0xFFFFF000  }
0x116: {  	_ =	swait.ge [sflag:s5], $0x1000  }
0x117: {  	[sflag:s5] =	ssyncset.done $0x0  }
0x118: {  	[sflag:s5] =	ssyncadd.s32 $0xFFFFF000  }
0x119: {  	_ =	swait.ge [sflag:s5], $0x1000  }
0x11a: {  	[sflag:s5] =	ssyncset.done $0x0  }
0x11b: {  	s30 =	rddreg [dreg:$0x4];
	[sflag:s5] =	ssyncadd.s32 $0xFFFFF000  }
0x11c: {  	[hbm4b:s30+s2] =	stream.linear.scatter [tilespmem:s4], [sflag:$0x2], $0x10000, $0x38;
	[tilespmem:$0x10800] =	vst v63  }
0x11d: {  	_ =	swait.ge [sflag:s3], $0x10000  }
0x11e: {  	[sflag:s3] =	ssyncset.done $0x0  }
0x11f: {  	[sflag:s3] =	ssyncadd.s32 $0xFFFF0000  }
0x120: {  	_ =	sfence.sel $0x180000  }
0x121: {  	[bflag:$0x0] =	sbarrier.arrive $0xFFFF  }
0x122: {  	_ =	strace $0x90000047  }
0x123: {  	s31 =	stileid.u32;
	[bflag:$0x2] =	sbarrier.arrive $0xFFFF  }
0x124: {  	p0 =	sne.s32 s31, $0x0;
	s0 =	rddreg [dreg:$0x2]  }
0x125: {  	s0 =	sadd.s32 @!p0 $0x100000, s0  }
0x126: {  	[sflag:s0] =	ssyncadd.tile.s32 @!p0 $0x1;
	_ =	shalt  }
.Lfunc_end2:
_tile_overlayer_lowered:
.L_overlay_start_2:
0x127: {  	(tag) =	ssettag $0x2  }
0x128: {  	s0 =	rddreg [dreg:$0x0];
	s2 =	stileid.u32  }
0x129: {  	s1 =	rddreg [dreg:$0x1];
	p0 =	sne.s32 s2, $0x0  }
0x12a: {  	s3 =	rddreg [dreg:$0x2];
	[bflag:$0x3] =	sbarrier.arrive $0xFFFF;
	s2 =	simm.s32 @!p0 $0x1C02  }
0x12b: {  	[timem:s3], [sflag:s2] =	dma.local @!p0 [hbm:s0], s1  }
0x12c: {  	s0 =	simm.s32 @!p0 $0x2  }
0x12d: {  	_ =	swait.ge @!p0 [sflag:s0], s1  }
0x12e: {  	s1 =	ssub.s32 @!p0 $0x0, s1;
	[sflag:s0] =	ssyncset.done @!p0 $0x0  }
0x12f: {  	[sflag:s0] =	ssyncadd.s32 @!p0 s1  }
0x130: {  	[bflag:$0x3] =	sbarrier.arrive $0xFFFF  }
0x131: {  	_ =	shalt  }

</sc_bundles>
